<compile_context>
chip_gen: v7x
topology: tpu7x:2x2x1
jax: 0.10.2.dev20260603
libtpu: 0.0.44.dev20260713+nightly
codegen_flags: <defaults>
</compile_context>

<pallas_src>
import functools

import jax
import jax.numpy as jnp
from jax import lax
from jax.experimental import pallas as pl
from jax.experimental.pallas import tpu as pltpu
from jax.experimental.pallas import tpu_sc as plsc

_THRESHOLD = 5.0
_GAMMA = 0.1
_LAMBDA = 0.1
_EPS = 1e-6

_D = 512
_N_ROWS = 16000
_R_TC = 14720
_TC_BLOCK = 3680
_R_SC = _N_ROWS - _R_TC
_NW = 32
_RPW = _R_SC // _NW
_CH = 40
_NCHUNK = _RPW // _CH
_VPR = _D // 16


def _tc_kernel(label_ref, protos_ref, protos_l_ref, counts_ref, feat_ref,
               out_ref, acc_ref):
    i = pl.program_id(0)
    nb = pl.num_programs(0)

    @pl.when(i == 0)
    def _():
        acc_ref[0] = 0.0

    fb = feat_ref[:]
    g = fb - _EPS
    x = protos_ref[:]
    diff = x - g
    dist2 = jnp.sum(diff * diff, axis=1, keepdims=True)
    w = jnp.exp(-_GAMMA * dist2)
    acc_ref[0] += jnp.sum(w)

    @pl.when(i == nb - 1)
    def _():
        d_dim = fb.shape[1]
        pls = protos_l_ref[0]
        diffl = pls - fb + _EPS
        d2l = jnp.sum(diffl * diffl, axis=1, keepdims=True)
        dl = jnp.sqrt(d2l)
        min_d = jnp.min(dl)
        n_p = pls.shape[0]
        row_iota = jax.lax.broadcasted_iota(jnp.int32, (n_p, 1), 0)
        idx = jnp.min(jnp.where(dl == min_d, row_iota, n_p))
        counts = counts_ref[0].astype(jnp.float32)
        cnt_iota = jax.lax.broadcasted_iota(jnp.int32, (1, n_p), 1)
        c = jnp.sum(jnp.where(cnt_iota == idx, counts, 0.0))
        proto_i = jnp.sum(jnp.where(row_iota == idx, pls, 0.0),
                          axis=0, keepdims=True)
        updated = (proto_i * c + fb) / (c + 1.0)
        take = min_d < _THRESHOLD
        closest = jnp.where(take, updated, fb)
        p_loss = jnp.sum((fb - closest + _EPS) ** 2)
        d_upd = jnp.sqrt(jnp.sum((updated - fb + _EPS) ** 2))
        w_new = jnp.exp(-_GAMMA * (d_upd * d_upd))
        w_old = jnp.exp(-_GAMMA * (min_d * min_d))
        delta = jnp.where(take, w_new - w_old, 0.0)
        append_w = jnp.where(take, 0.0,
                             jnp.exp(-_GAMMA * (d_dim * _EPS * _EPS)))
        s_label = jnp.sum(jnp.exp(-_GAMMA * (dl * dl)))
        iota8 = jax.lax.broadcasted_iota(jnp.int32, (1, 8), 1)
        outv = (jnp.where(iota8 == 0, acc_ref[0], 0.0)
                + jnp.where(iota8 == 1, s_label, 0.0)
                + jnp.where(iota8 == 2, delta, 0.0)
                + jnp.where(iota8 == 3, append_w, 0.0)
                + jnp.where(iota8 == 4, p_loss, 0.0))
        out_ref[...] = outv


_sc_mesh = plsc.VectorSubcoreMesh(core_axis_name="c", subcore_axis_name="s")


@functools.partial(
    pl.kernel,
    out_type=jax.ShapeDtypeStruct((_NW * 16,), jnp.float32),
    mesh=_sc_mesh,
    scratch_types=[
        pltpu.VMEM((_D,), jnp.float32),
        pltpu.VMEM((2, _CH, _D), jnp.float32),
        pltpu.VMEM((16,), jnp.float32),
        pltpu.SemaphoreType.DMA,
        pltpu.SemaphoreType.DMA,
        pltpu.SemaphoreType.DMA,
    ],
)
def _sc_partial(protos_hbm, feat_hbm, out_hbm, g_v, buf_v, res_v,
                sem0, sem1, semf):
    wid = lax.axis_index("s") * 2 + lax.axis_index("c")
    row0 = _R_TC + wid * _RPW

    pltpu.async_copy(feat_hbm.at[0], g_v, semf).wait()
    for j in range(_VPR):
        sl = pl.ds(j * 16, 16)
        g_v[sl] = g_v[sl] - _EPS

    sems = (sem0, sem1)

    def start(k):
        slot = k % 2
        return pltpu.async_copy(
            protos_hbm.at[pl.ds(row0 + k * _CH, _CH)],
            buf_v.at[slot], sems[slot])

    g_regs = [g_v[pl.ds(j * 16, 16)] for j in range(_VPR)]

    def row_body(slot, r, acc):
        s = jnp.zeros((16,), jnp.float32)
        for j in range(_VPR):
            d = buf_v[slot, r, pl.ds(j * 16, 16)] - g_regs[j]
            s = s + d * d
        lane = jax.lax.broadcasted_iota(jnp.int32, (16,), 0)
        for step in (8, 4, 2, 1):
            s = s + s.at[lane ^ step].get(mode="promise_in_bounds")
        wv = jnp.exp(s * (-_GAMMA))
        return acc + wv

    acc = jnp.zeros((16,), jnp.float32)
    copies = [None, None]
    copies[0] = start(0)
    for k in range(_NCHUNK):
        slot = k % 2
        if k + 1 < _NCHUNK:
            copies[(k + 1) % 2] = start(k + 1)
        copies[slot].wait()
        acc = plsc.parallel_loop(0, _CH, 1, unroll=2, carry=acc)(
            functools.partial(row_body, slot))

    res_v[...] = acc
    pltpu.sync_copy(res_v, out_hbm.at[pl.ds(wid * 16, 16)])


def _combine_kernel(tc_ref, sc_ref, out_ref):
    t = tc_ref[:]
    iota8 = jax.lax.broadcasted_iota(jnp.int32, (1, 8), 1)

    def pick(k):
        return jnp.sum(jnp.where(iota8 == k, t, 0.0))

    acc_tc = pick(0)
    s_label = pick(1)
    delta = pick(2)
    append_w = pick(3)
    p_loss = pick(4)
    s_all = acc_tc + jnp.sum(sc_ref[:]) * (1.0 / 16.0) + delta + append_w
    num = s_label + delta + append_w
    prob = jnp.where(s_all > 0.0, num / s_all, s_all + 0.1)
    prob = jnp.where(prob > 0.0, prob, prob + 1e-6)
    loss = -jnp.log(prob) + _LAMBDA * p_loss
    out_ref[...] = jnp.full((1, 1), loss, dtype=jnp.float32)


def kernel(feature, label, prototypes, sample_counts):
    L, P, D = prototypes.shape
    protos_flat = prototypes.reshape(L * P, D)
    counts3 = sample_counts.reshape(L, 1, P)
    label_arr = jnp.asarray(label, jnp.int32).reshape(1)

    nb = _R_TC // _TC_BLOCK
    grid_spec = pltpu.PrefetchScalarGridSpec(
        num_scalar_prefetch=1,
        grid=(nb,),
        in_specs=[
            pl.BlockSpec((_TC_BLOCK, D), lambda i, lbl: (i, 0)),
            pl.BlockSpec((1, P, D), lambda i, lbl: (lbl[0], 0, 0)),
            pl.BlockSpec((1, 1, P), lambda i, lbl: (lbl[0], 0, 0)),
            pl.BlockSpec((1, D), lambda i, lbl: (0, 0)),
        ],
        out_specs=pl.BlockSpec((1, 8), lambda i, lbl: (0, 0)),
        scratch_shapes=[pltpu.SMEM((1,), jnp.float32)],
    )
    tc_out = pl.pallas_call(
        _tc_kernel,
        grid_spec=grid_spec,
        out_shape=jax.ShapeDtypeStruct((1, 8), jnp.float32),
        compiler_params=pltpu.CompilerParams(
            dimension_semantics=("arbitrary",)),
    )(label_arr, protos_flat, prototypes, counts3, feature)

    sc_out = _sc_partial(protos_flat, feature)

    out = pl.pallas_call(
        _combine_kernel,
        out_shape=jax.ShapeDtypeStruct((1, 1), jnp.float32),
    )(tc_out, sc_out)
    return out[0, 0]

# --- scband reference (transcript-rebuilt; emitter-appended) ---
"""Pipeline reference for scband-gcplloss-64845416235039 (READ-ONLY COPY).

The authoritative reference and input builder live on the scoring server;
editing this copy changes nothing except your own understanding.
"""

import jax, jax.numpy as jnp
import numpy as np

THRESHOLD = 5.0
GAMMA = 0.1
LAMBDA_ = 0.1
EPS = 1e-6  # torch nn.PairwiseDistance default eps added to the difference


def setup_inputs(seed: int = 0) -> dict:
    key = jax.random.key(seed)
    k1, k2, k3 = jax.random.split(key, 3)
    feature = jax.random.normal(k1, (1, 512), dtype=jnp.float32)
    prototypes = jax.random.normal(k2, (1000, 16, 512), dtype=jnp.float32)
    sample_counts = jax.random.randint(k3, (1000, 16), 1, 100).astype(jnp.int32)
    label = 7
    return {"feature": feature, "label": label, "prototypes": prototypes, "sample_counts": sample_counts}


def reference(feature, label, prototypes, sample_counts):
    f = feature[0]  # [d]
    # ---- assign_prototype ----
    protos_l = prototypes[label]                       # [P, d]
    counts_l = sample_counts[label].astype(jnp.float32)  # [P]
    d_l = jnp.linalg.norm(protos_l - f + EPS, axis=1)  # [P]
    min_dist = jnp.min(d_l)
    idx = jnp.argmin(d_l)
    c = counts_l[idx]
    updated = (protos_l[idx] * c + f) / (c + 1.0)
    take_update = min_dist < THRESHOLD
    closest = jnp.where(take_update, updated, f)
    # prototype bank after the in-place update (happens before probability compute)
    protos_l_new = protos_l.at[idx].set(jnp.where(take_update, updated, protos_l[idx]))
    prototypes_new = prototypes.at[label].set(protos_l_new)
    # if min_dist >= threshold, torch APPENDS `feature` as a new prototype of `label`;
    # its contribution to both the numerator and `one` is exp(-gamma*||eps||^2)
    d_dim = f.shape[0]
    append_w = jnp.where(take_update, 0.0, jnp.exp(-GAMMA * (d_dim * EPS * EPS)))
    # ---- compute_probability ----
    dist_all = jnp.linalg.norm(prototypes_new - f + EPS, axis=2)  # [L, P]
    w = jnp.exp(-GAMMA * dist_all ** 2)
    one = jnp.sum(w) + append_w
    num = jnp.sum(w[label]) + append_w
    probability = jnp.where(one > 0.0, num / one, one + 0.1)
    probability = jnp.where(probability > 0.0, probability, probability + 1e-06)
    dce_loss = -jnp.log(probability)
    p_loss = jnp.sum((f - closest + EPS) ** 2)  # PairwiseDistance(p=2)^2
    return dce_loss + LAMBDA_ * p_loss


if False:  # reference __main__ guard neutralized (emitter)
    out = reference(**setup_inputs())
    print(out)

if __name__ == "__main__":
    import jax
    _d = setup_inputs()
    print(jax.jit(kernel)(*tuple(_d.values())))

</pallas_src>

<mosaic_0001>
#map = affine_map<(d0, d1) -> (0, 0)>
#map1 = affine_map<(d0, d1) -> (0)>
module attributes {stable_mosaic.version = 14 : i64} {
  func.func @_sc_partial(%arg0: i32, %arg1: i32, %arg2: memref<16000x512xf32, #tpu.memory_space<hbm>>, %arg3: memref<1x512xf32, #tpu.memory_space<hbm>>, %arg4: memref<512xf32, #tpu.memory_space<hbm>>, %arg5: memref<512xf32, #tpu.memory_space<vmem>>, %arg6: memref<2x40x512xf32, #tpu.memory_space<vmem>>, %arg7: memref<16xf32, #tpu.memory_space<vmem>>, %arg8: memref<!tpu.dma_semaphore, #tpu.memory_space<semaphore_mem>>, %arg9: memref<!tpu.dma_semaphore, #tpu.memory_space<semaphore_mem>>, %arg10: memref<!tpu.dma_semaphore, #tpu.memory_space<semaphore_mem>>) attributes {dimension_semantics = [#tpu.dimension_semantics<core_parallel>, #tpu.dimension_semantics<subcore_parallel>], iteration_bounds = array<i64: 2, 16>, scalar_prefetch = 0 : i64, scratch_operands = 6 : i64, tpu.core_type = #tpu.core_type<sc_vector_subcore>, window_params = [{transform_indices = #map}, {transform_indices = #map}, {transform_indices = #map1}]} {
    %mul3A = arith.constant 2 : i32
    %mul3A_0 = arith.muli %arg1, %mul3A : i32
    %add3A = arith.addi %mul3A_0, %arg0 : i32
    %mul3A_1 = arith.constant 40 : i32
    %mul3A_2 = arith.muli %add3A, %mul3A_1 : i32
    %add3A_3 = arith.constant 14720 : i32
    %add3A_4 = arith.addi %add3A_3, %mul3A_2 : i32
    %dma_start3A = arith.constant 0 : i32
    %dma_start3A_5 = arith.constant 0 : i32
    %dma_start3A_6 = tpu.memref_slice %arg3[%dma_start3A, %dma_start3A_5] : memref<1x512xf32, #tpu.memory_space<hbm>> -> memref<1x512xf32, #tpu.memory_space<hbm>>
    %dma_start3A_7 = tpu.memref_squeeze %dma_start3A_6 : memref<1x512xf32, #tpu.memory_space<hbm>> -> memref<512xf32, #tpu.memory_space<hbm>>
    %dma_start3A_8 = arith.constant 0 : i32
    %dma_start3A_9 = tpu.memref_slice %arg3[%dma_start3A, %dma_start3A_8] : memref<1x512xf32, #tpu.memory_space<hbm>> -> memref<1x512xf32, #tpu.memory_space<hbm>>
    %dma_start3A_10 = tpu.memref_squeeze %dma_start3A_9 : memref<1x512xf32, #tpu.memory_space<hbm>> -> memref<512xf32, #tpu.memory_space<hbm>>
    tpu.enqueue_dma source(%dma_start3A_10 : memref<512xf32, #tpu.memory_space<hbm>>) target(%arg5 : memref<512xf32, #tpu.memory_space<vmem>>) target_semaphore(%arg10 : memref<!tpu.dma_semaphore, #tpu.memory_space<semaphore_mem>>)
    %dma_wait3A = arith.constant 0 : i32
    %dma_wait3A_11 = arith.constant 0 : i32
    %dma_wait3A_12 = tpu.memref_slice %arg3[%dma_wait3A, %dma_wait3A_11] : memref<1x512xf32, #tpu.memory_space<hbm>> -> memref<1x512xf32, #tpu.memory_space<hbm>>
    %dma_wait3A_13 = tpu.memref_squeeze %dma_wait3A_12 : memref<1x512xf32, #tpu.memory_space<hbm>> -> memref<512xf32, #tpu.memory_space<hbm>>
    %dma_wait3A_14 = arith.constant 0 : i32
    %dma_wait3A_15 = tpu.memref_slice %arg3[%dma_wait3A, %dma_wait3A_14] : memref<1x512xf32, #tpu.memory_space<hbm>> -> memref<1x512xf32, #tpu.memory_space<hbm>>
    %dma_wait3A_16 = tpu.memref_squeeze %dma_wait3A_15 : memref<1x512xf32, #tpu.memory_space<hbm>> -> memref<512xf32, #tpu.memory_space<hbm>>
    tpu.wait_dma2 semaphore(%arg10 : memref<!tpu.dma_semaphore, #tpu.memory_space<semaphore_mem>>) src(%dma_wait3A_16 : memref<512xf32, #tpu.memory_space<hbm>>) dst(%arg5 : memref<512xf32, #tpu.memory_space<vmem>>)
    %get3A = arith.constant 0 : index
    %get3A_17 = tpu.vector_load %arg5[%get3A] {strides = array<i32>} : memref<512xf32, #tpu.memory_space<vmem>>, vector<16xf32>,
    %get3A_18 = vector.shape_cast %get3A_17 : vector<16xf32> to vector<16xf32>
    %sub3A = arith.constant 9.99999997E-7 : f32
    %sub3A_19 = vector.broadcast %sub3A : f32 to vector<16xf32>
    %sub3A_20 = arith.subf %get3A_18, %sub3A_19 : vector<16xf32>
    %swap3A = arith.constant 0 : index
    %swap3A_21 = tpu.vector_load %arg5[%swap3A] {strides = array<i32>} : memref<512xf32, #tpu.memory_space<vmem>>, vector<16xf32>,
    %swap3A_22 = vector.shape_cast %swap3A_21 : vector<16xf32> to vector<16xf32>
    %swap3A_23 = vector.shape_cast %sub3A_20 : vector<16xf32> to vector<16xf32>
    tpu.vector_store %arg5[%swap3A], %swap3A_23 {strides = array<i32>} : memref<512xf32, #tpu.memory_space<vmem>>, vector<16xf32>,
    %get3A_24 = arith.constant 16 : index
    %get3A_25 = tpu.vector_load %arg5[%get3A_24] {strides = array<i32>} : memref<512xf32, #tpu.memory_space<vmem>>, vector<16xf32>,
    %get3A_26 = vector.shape_cast %get3A_25 : vector<16xf32> to vector<16xf32>
    %sub3A_27 = arith.constant 9.99999997E-7 : f32
    %sub3A_28 = vector.broadcast %sub3A_27 : f32 to vector<16xf32>
    %sub3A_29 = arith.subf %get3A_26, %sub3A_28 : vector<16xf32>
    %swap3A_30 = arith.constant 16 : index
    %swap3A_31 = tpu.vector_load %arg5[%swap3A_30] {strides = array<i32>} : memref<512xf32, #tpu.memory_space<vmem>>, vector<16xf32>,
    %swap3A_32 = vector.shape_cast %swap3A_31 : vector<16xf32> to vector<16xf32>
    %swap3A_33 = vector.shape_cast %sub3A_29 : vector<16xf32> to vector<16xf32>
    tpu.vector_store %arg5[%swap3A_30], %swap3A_33 {strides = array<i32>} : memref<512xf32, #tpu.memory_space<vmem>>, vector<16xf32>,
    %get3A_34 = arith.constant 32 : index
    %get3A_35 = tpu.vector_load %arg5[%get3A_34] {strides = array<i32>} : memref<512xf32, #tpu.memory_space<vmem>>, vector<16xf32>,
    %get3A_36 = vector.shape_cast %get3A_35 : vector<16xf32> to vector<16xf32>
    %sub3A_37 = arith.constant 9.99999997E-7 : f32
    %sub3A_38 = vector.broadcast %sub3A_37 : f32 to vector<16xf32>
    %sub3A_39 = arith.subf %get3A_36, %sub3A_38 : vector<16xf32>
    %swap3A_40 = arith.constant 32 : index
    %swap3A_41 = tpu.vector_load %arg5[%swap3A_40] {strides = array<i32>} : memref<512xf32, #tpu.memory_space<vmem>>, vector<16xf32>,
    %swap3A_42 = vector.shape_cast %swap3A_41 : vector<16xf32> to vector<16xf32>
    %swap3A_43 = vector.shape_cast %sub3A_39 : vector<16xf32> to vector<16xf32>
    tpu.vector_store %arg5[%swap3A_40], %swap3A_43 {strides = array<i32>} : memref<512xf32, #tpu.memory_space<vmem>>, vector<16xf32>,
    %get3A_44 = arith.constant 48 : index
    %get3A_45 = tpu.vector_load %arg5[%get3A_44] {strides = array<i32>} : memref<512xf32, #tpu.memory_space<vmem>>, vector<16xf32>,
    %get3A_46 = vector.shape_cast %get3A_45 : vector<16xf32> to vector<16xf32>
    %sub3A_47 = arith.constant 9.99999997E-7 : f32
    %sub3A_48 = vector.broadcast %sub3A_47 : f32 to vector<16xf32>
    %sub3A_49 = arith.subf %get3A_46, %sub3A_48 : vector<16xf32>
    %swap3A_50 = arith.constant 48 : index
    %swap3A_51 = tpu.vector_load %arg5[%swap3A_50] {strides = array<i32>} : memref<512xf32, #tpu.memory_space<vmem>>, vector<16xf32>,
    %swap3A_52 = vector.shape_cast %swap3A_51 : vector<16xf32> to vector<16xf32>
    %swap3A_53 = vector.shape_cast %sub3A_49 : vector<16xf32> to vector<16xf32>
    tpu.vector_store %arg5[%swap3A_50], %swap3A_53 {strides = array<i32>} : memref<512xf32, #tpu.memory_space<vmem>>, vector<16xf32>,
    %get3A_54 = arith.constant 64 : index
    %get3A_55 = tpu.vector_load %arg5[%get3A_54] {strides = array<i32>} : memref<512xf32, #tpu.memory_space<vmem>>, vector<16xf32>,
    %get3A_56 = vector.shape_cast %get3A_55 : vector<16xf32> to vector<16xf32>
    %sub3A_57 = arith.constant 9.99999997E-7 : f32
    %sub3A_58 = vector.broadcast %sub3A_57 : f32 to vector<16xf32>
    %sub3A_59 = arith.subf %get3A_56, %sub3A_58 : vector<16xf32>
    %swap3A_60 = arith.constant 64 : index
    %swap3A_61 = tpu.vector_load %arg5[%swap3A_60] {strides = array<i32>} : memref<512xf32, #tpu.memory_space<vmem>>, vector<16xf32>,
    %swap3A_62 = vector.shape_cast %swap3A_61 : vector<16xf32> to vector<16xf32>
    %swap3A_63 = vector.shape_cast %sub3A_59 : vector<16xf32> to vector<16xf32>
    tpu.vector_store %arg5[%swap3A_60], %swap3A_63 {strides = array<i32>} : memref<512xf32, #tpu.memory_space<vmem>>, vector<16xf32>,
    %get3A_64 = arith.constant 80 : index
    %get3A_65 = tpu.vector_load %arg5[%get3A_64] {strides = array<i32>} : memref<512xf32, #tpu.memory_space<vmem>>, vector<16xf32>,
    %get3A_66 = vector.shape_cast %get3A_65 : vector<16xf32> to vector<16xf32>
    %sub3A_67 = arith.constant 9.99999997E-7 : f32
    %sub3A_68 = vector.broadcast %sub3A_67 : f32 to vector<16xf32>
    %sub3A_69 = arith.subf %get3A_66, %sub3A_68 : vector<16xf32>
    %swap3A_70 = arith.constant 80 : index
    %swap3A_71 = tpu.vector_load %arg5[%swap3A_70] {strides = array<i32>} : memref<512xf32, #tpu.memory_space<vmem>>, vector<16xf32>,
    %swap3A_72 = vector.shape_cast %swap3A_71 : vector<16xf32> to vector<16xf32>
    %swap3A_73 = vector.shape_cast %sub3A_69 : vector<16xf32> to vector<16xf32>
    tpu.vector_store %arg5[%swap3A_70], %swap3A_73 {strides = array<i32>} : memref<512xf32, #tpu.memory_space<vmem>>, vector<16xf32>,
    %get3A_74 = arith.constant 96 : index
    %get3A_75 = tpu.vector_load %arg5[%get3A_74] {strides = array<i32>} : memref<512xf32, #tpu.memory_space<vmem>>, vector<16xf32>,
    %get3A_76 = vector.shape_cast %get3A_75 : vector<16xf32> to vector<16xf32>
    %sub3A_77 = arith.constant 9.99999997E-7 : f32
    %sub3A_78 = vector.broadcast %sub3A_77 : f32 to vector<16xf32>
    %sub3A_79 = arith.subf %get3A_76, %sub3A_78 : vector<16xf32>
    %swap3A_80 = arith.constant 96 : index
    %swap3A_81 = tpu.vector_load %arg5[%swap3A_80] {strides = array<i32>} : memref<512xf32, #tpu.memory_space<vmem>>, vector<16xf32>,
    %swap3A_82 = vector.shape_cast %swap3A_81 : vector<16xf32> to vector<16xf32>
    %swap3A_83 = vector.shape_cast %sub3A_79 : vector<16xf32> to vector<16xf32>
    tpu.vector_store %arg5[%swap3A_80], %swap3A_83 {strides = array<i32>} : memref<512xf32, #tpu.memory_space<vmem>>, vector<16xf32>,
    %get3A_84 = arith.constant 112 : index
    %get3A_85 = tpu.vector_load %arg5[%get3A_84] {strides = array<i32>} : memref<512xf32, #tpu.memory_space<vmem>>, vector<16xf32>,
    %get3A_86 = vector.shape_cast %get3A_85 : vector<16xf32> to vector<16xf32>
    %sub3A_87 = arith.constant 9.99999997E-7 : f32
    %sub3A_88 = vector.broadcast %sub3A_87 : f32 to vector<16xf32>
    %sub3A_89 = arith.subf %get3A_86, %sub3A_88 : vector<16xf32>
    %swap3A_90 = arith.constant 112 : index
    %swap3A_91 = tpu.vector_load %arg5[%swap3A_90] {strides = array<i32>} : memref<512xf32, #tpu.memory_space<vmem>>, vector<16xf32>,
    %swap3A_92 = vector.shape_cast %swap3A_91 : vector<16xf32> to vector<16xf32>
    %swap3A_93 = vector.shape_cast %sub3A_89 : vector<16xf32> to vector<16xf32>
    tpu.vector_store %arg5[%swap3A_90], %swap3A_93 {strides = array<i32>} : memref<512xf32, #tpu.memory_space<vmem>>, vector<16xf32>,
    %get3A_94 = arith.constant 128 : index
    %get3A_95 = tpu.vector_load %arg5[%get3A_94] {strides = array<i32>} : memref<512xf32, #tpu.memory_space<vmem>>, vector<16xf32>,
    %get3A_96 = vector.shape_cast %get3A_95 : vector<16xf32> to vector<16xf32>
    %sub3A_97 = arith.constant 9.99999997E-7 : f32
    %sub3A_98 = vector.broadcast %sub3A_97 : f32 to vector<16xf32>
    %sub3A_99 = arith.subf %get3A_96, %sub3A_98 : vector<16xf32>
    %swap3A_100 = arith.constant 128 : index
    %swap3A_101 = tpu.vector_load %arg5[%swap3A_100] {strides = array<i32>} : memref<512xf32, #tpu.memory_space<vmem>>, vector<16xf32>,
    %swap3A_102 = vector.shape_cast %swap3A_101 : vector<16xf32> to vector<16xf32>
    %swap3A_103 = vector.shape_cast %sub3A_99 : vector<16xf32> to vector<16xf32>
    tpu.vector_store %arg5[%swap3A_100], %swap3A_103 {strides = array<i32>} : memref<512xf32, #tpu.memory_space<vmem>>, vector<16xf32>,
    %get3A_104 = arith.constant 144 : index
    %get3A_105 = tpu.vector_load %arg5[%get3A_104] {strides = array<i32>} : memref<512xf32, #tpu.memory_space<vmem>>, vector<16xf32>,
    %get3A_106 = vector.shape_cast %get3A_105 : vector<16xf32> to vector<16xf32>
    %sub3A_107 = arith.constant 9.99999997E-7 : f32
    %sub3A_108 = vector.broadcast %sub3A_107 : f32 to vector<16xf32>
    %sub3A_109 = arith.subf %get3A_106, %sub3A_108 : vector<16xf32>
    %swap3A_110 = arith.constant 144 : index
    %swap3A_111 = tpu.vector_load %arg5[%swap3A_110] {strides = array<i32>} : memref<512xf32, #tpu.memory_space<vmem>>, vector<16xf32>,
    %swap3A_112 = vector.shape_cast %swap3A_111 : vector<16xf32> to vector<16xf32>
    %swap3A_113 = vector.shape_cast %sub3A_109 : vector<16xf32> to vector<16xf32>
    tpu.vector_store %arg5[%swap3A_110], %swap3A_113 {strides = array<i32>} : memref<512xf32, #tpu.memory_space<vmem>>, vector<16xf32>,
    %get3A_114 = arith.constant 160 : index
    %get3A_115 = tpu.vector_load %arg5[%get3A_114] {strides = array<i32>} : memref<512xf32, #tpu.memory_space<vmem>>, vector<16xf32>,
    %get3A_116 = vector.shape_cast %get3A_115 : vector<16xf32> to vector<16xf32>
    %sub3A_117 = arith.constant 9.99999997E-7 : f32
    %sub3A_118 = vector.broadcast %sub3A_117 : f32 to vector<16xf32>
    %sub3A_119 = arith.subf %get3A_116, %sub3A_118 : vector<16xf32>
    %swap3A_120 = arith.constant 160 : index
    %swap3A_121 = tpu.vector_load %arg5[%swap3A_120] {strides = array<i32>} : memref<512xf32, #tpu.memory_space<vmem>>, vector<16xf32>,
    %swap3A_122 = vector.shape_cast %swap3A_121 : vector<16xf32> to vector<16xf32>
    %swap3A_123 = vector.shape_cast %sub3A_119 : vector<16xf32> to vector<16xf32>
    tpu.vector_store %arg5[%swap3A_120], %swap3A_123 {strides = array<i32>} : memref<512xf32, #tpu.memory_space<vmem>>, vector<16xf32>,
    %get3A_124 = arith.constant 176 : index
    %get3A_125 = tpu.vector_load %arg5[%get3A_124] {strides = array<i32>} : memref<512xf32, #tpu.memory_space<vmem>>, vector<16xf32>,
    %get3A_126 = vector.shape_cast %get3A_125 : vector<16xf32> to vector<16xf32>
    %sub3A_127 = arith.constant 9.99999997E-7 : f32
    %sub3A_128 = vector.broadcast %sub3A_127 : f32 to vector<16xf32>
    %sub3A_129 = arith.subf %get3A_126, %sub3A_128 : vector<16xf32>
    %swap3A_130 = arith.constant 176 : index
    %swap3A_131 = tpu.vector_load %arg5[%swap3A_130] {strides = array<i32>} : memref<512xf32, #tpu.memory_space<vmem>>, vector<16xf32>,
    %swap3A_132 = vector.shape_cast %swap3A_131 : vector<16xf32> to vector<16xf32>
    %swap3A_133 = vector.shape_cast %sub3A_129 : vector<16xf32> to vector<16xf32>
    tpu.vector_store %arg5[%swap3A_130], %swap3A_133 {strides = array<i32>} : memref<512xf32, #tpu.memory_space<vmem>>, vector<16xf32>,
    %get3A_134 = arith.constant 192 : index
    %get3A_135 = tpu.vector_load %arg5[%get3A_134] {strides = array<i32>} : memref<512xf32, #tpu.memory_space<vmem>>, vector<16xf32>,
    %get3A_136 = vector.shape_cast %get3A_135 : vector<16xf32> to vector<16xf32>
    %sub3A_137 = arith.constant 9.99999997E-7 : f32
    %sub3A_138 = vector.broadcast %sub3A_137 : f32 to vector<16xf32>
    %sub3A_139 = arith.subf %get3A_136, %sub3A_138 : vector<16xf32>
    %swap3A_140 = arith.constant 192 : index
    %swap3A_141 = tpu.vector_load %arg5[%swap3A_140] {strides = array<i32>} : memref<512xf32, #tpu.memory_space<vmem>>, vector<16xf32>,
    %swap3A_142 = vector.shape_cast %swap3A_141 : vector<16xf32> to vector<16xf32>
    %swap3A_143 = vector.shape_cast %sub3A_139 : vector<16xf32> to vector<16xf32>
    tpu.vector_store %arg5[%swap3A_140], %swap3A_143 {strides = array<i32>} : memref<512xf32, #tpu.memory_space<vmem>>, vector<16xf32>,
    %get3A_144 = arith.constant 208 : index
    %get3A_145 = tpu.vector_load %arg5[%get3A_144] {strides = array<i32>} : memref<512xf32, #tpu.memory_space<vmem>>, vector<16xf32>,
    %get3A_146 = vector.shape_cast %get3A_145 : vector<16xf32> to vector<16xf32>
    %sub3A_147 = arith.constant 9.99999997E-7 : f32
    %sub3A_148 = vector.broadcast %sub3A_147 : f32 to vector<16xf32>
    %sub3A_149 = arith.subf %get3A_146, %sub3A_148 : vector<16xf32>
    %swap3A_150 = arith.constant 208 : index
    %swap3A_151 = tpu.vector_load %arg5[%swap3A_150] {strides = array<i32>} : memref<512xf32, #tpu.memory_space<vmem>>, vector<16xf32>,
    %swap3A_152 = vector.shape_cast %swap3A_151 : vector<16xf32> to vector<16xf32>
    %swap3A_153 = vector.shape_cast %sub3A_149 : vector<16xf32> to vector<16xf32>
    tpu.vector_store %arg5[%swap3A_150], %swap3A_153 {strides = array<i32>} : memref<512xf32, #tpu.memory_space<vmem>>, vector<16xf32>,
    %get3A_154 = arith.constant 224 : index
    %get3A_155 = tpu.vector_load %arg5[%get3A_154] {strides = array<i32>} : memref<512xf32, #tpu.memory_space<vmem>>, vector<16xf32>,
    %get3A_156 = vector.shape_cast %get3A_155 : vector<16xf32> to vector<16xf32>
    %sub3A_157 = arith.constant 9.99999997E-7 : f32
    %sub3A_158 = vector.broadcast %sub3A_157 : f32 to vector<16xf32>
    %sub3A_159 = arith.subf %get3A_156, %sub3A_158 : vector<16xf32>
    %swap3A_160 = arith.constant 224 : index
    %swap3A_161 = tpu.vector_load %arg5[%swap3A_160] {strides = array<i32>} : memref<512xf32, #tpu.memory_space<vmem>>, vector<16xf32>,
    %swap3A_162 = vector.shape_cast %swap3A_161 : vector<16xf32> to vector<16xf32>
    %swap3A_163 = vector.shape_cast %sub3A_159 : vector<16xf32> to vector<16xf32>
    tpu.vector_store %arg5[%swap3A_160], %swap3A_163 {strides = array<i32>} : memref<512xf32, #tpu.memory_space<vmem>>, vector<16xf32>,
    %get3A_164 = arith.constant 240 : index
    %get3A_165 = tpu.vector_load %arg5[%get3A_164] {strides = array<i32>} : memref<512xf32, #tpu.memory_space<vmem>>, vector<16xf32>,
    %get3A_166 = vector.shape_cast %get3A_165 : vector<16xf32> to vector<16xf32>
    %sub3A_167 = arith.constant 9.99999997E-7 : f32
    %sub3A_168 = vector.broadcast %sub3A_167 : f32 to vector<16xf32>
    %sub3A_169 = arith.subf %get3A_166, %sub3A_168 : vector<16xf32>
    %swap3A_170 = arith.constant 240 : index
    %swap3A_171 = tpu.vector_load %arg5[%swap3A_170] {strides = array<i32>} : memref<512xf32, #tpu.memory_space<vmem>>, vector<16xf32>,
    %swap3A_172 = vector.shape_cast %swap3A_171 : vector<16xf32> to vector<16xf32>
    %swap3A_173 = vector.shape_cast %sub3A_169 : vector<16xf32> to vector<16xf32>
    tpu.vector_store %arg5[%swap3A_170], %swap3A_173 {strides = array<i32>} : memref<512xf32, #tpu.memory_space<vmem>>, vector<16xf32>,
    %get3A_174 = arith.constant 256 : index
    %get3A_175 = tpu.vector_load %arg5[%get3A_174] {strides = array<i32>} : memref<512xf32, #tpu.memory_space<vmem>>, vector<16xf32>,
    %get3A_176 = vector.shape_cast %get3A_175 : vector<16xf32> to vector<16xf32>
    %sub3A_177 = arith.constant 9.99999997E-7 : f32
    %sub3A_178 = vector.broadcast %sub3A_177 : f32 to vector<16xf32>
    %sub3A_179 = arith.subf %get3A_176, %sub3A_178 : vector<16xf32>
    %swap3A_180 = arith.constant 256 : index
    %swap3A_181 = tpu.vector_load %arg5[%swap3A_180] {strides = array<i32>} : memref<512xf32, #tpu.memory_space<vmem>>, vector<16xf32>,
    %swap3A_182 = vector.shape_cast %swap3A_181 : vector<16xf32> to vector<16xf32>
    %swap3A_183 = vector.shape_cast %sub3A_179 : vector<16xf32> to vector<16xf32>
    tpu.vector_store %arg5[%swap3A_180], %swap3A_183 {strides = array<i32>} : memref<512xf32, #tpu.memory_space<vmem>>, vector<16xf32>,
    %get3A_184 = arith.constant 272 : index
    %get3A_185 = tpu.vector_load %arg5[%get3A_184] {strides = array<i32>} : memref<512xf32, #tpu.memory_space<vmem>>, vector<16xf32>,
    %get3A_186 = vector.shape_cast %get3A_185 : vector<16xf32> to vector<16xf32>
    %sub3A_187 = arith.constant 9.99999997E-7 : f32
    %sub3A_188 = vector.broadcast %sub3A_187 : f32 to vector<16xf32>
    %sub3A_189 = arith.subf %get3A_186, %sub3A_188 : vector<16xf32>
    %swap3A_190 = arith.constant 272 : index
    %swap3A_191 = tpu.vector_load %arg5[%swap3A_190] {strides = array<i32>} : memref<512xf32, #tpu.memory_space<vmem>>, vector<16xf32>,
    %swap3A_192 = vector.shape_cast %swap3A_191 : vector<16xf32> to vector<16xf32>
    %swap3A_193 = vector.shape_cast %sub3A_189 : vector<16xf32> to vector<16xf32>
    tpu.vector_store %arg5[%swap3A_190], %swap3A_193 {strides = array<i32>} : memref<512xf32, #tpu.memory_space<vmem>>, vector<16xf32>,
    %get3A_194 = arith.constant 288 : index
    %get3A_195 = tpu.vector_load %arg5[%get3A_194] {strides = array<i32>} : memref<512xf32, #tpu.memory_space<vmem>>, vector<16xf32>,
    %get3A_196 = vector.shape_cast %get3A_195 : vector<16xf32> to vector<16xf32>
    %sub3A_197 = arith.constant 9.99999997E-7 : f32
    %sub3A_198 = vector.broadcast %sub3A_197 : f32 to vector<16xf32>
    %sub3A_199 = arith.subf %get3A_196, %sub3A_198 : vector<16xf32>
    %swap3A_200 = arith.constant 288 : index
    %swap3A_201 = tpu.vector_load %arg5[%swap3A_200] {strides = array<i32>} : memref<512xf32, #tpu.memory_space<vmem>>, vector<16xf32>,
    %swap3A_202 = vector.shape_cast %swap3A_201 : vector<16xf32> to vector<16xf32>
    %swap3A_203 = vector.shape_cast %sub3A_199 : vector<16xf32> to vector<16xf32>
    tpu.vector_store %arg5[%swap3A_200], %swap3A_203 {strides = array<i32>} : memref<512xf32, #tpu.memory_space<vmem>>, vector<16xf32>,
    %get3A_204 = arith.constant 304 : index
    %get3A_205 = tpu.vector_load %arg5[%get3A_204] {strides = array<i32>} : memref<512xf32, #tpu.memory_space<vmem>>, vector<16xf32>,
    %get3A_206 = vector.shape_cast %get3A_205 : vector<16xf32> to vector<16xf32>
    %sub3A_207 = arith.constant 9.99999997E-7 : f32
    %sub3A_208 = vector.broadcast %sub3A_207 : f32 to vector<16xf32>
    %sub3A_209 = arith.subf %get3A_206, %sub3A_208 : vector<16xf32>
    %swap3A_210 = arith.constant 304 : index
    %swap3A_211 = tpu.vector_load %arg5[%swap3A_210] {strides = array<i32>} : memref<512xf32, #tpu.memory_space<vmem>>, vector<16xf32>,
    %swap3A_212 = vector.shape_cast %swap3A_211 : vector<16xf32> to vector<16xf32>
    %swap3A_213 = vector.shape_cast %sub3A_209 : vector<16xf32> to vector<16xf32>
    tpu.vector_store %arg5[%swap3A_210], %swap3A_213 {strides = array<i32>} : memref<512xf32, #tpu.memory_space<vmem>>, vector<16xf32>,
    %get3A_214 = arith.constant 320 : index
    %get3A_215 = tpu.vector_load %arg5[%get3A_214] {strides = array<i32>} : memref<512xf32, #tpu.memory_space<vmem>>, vector<16xf32>,
    %get3A_216 = vector.shape_cast %get3A_215 : vector<16xf32> to vector<16xf32>
    %sub3A_217 = arith.constant 9.99999997E-7 : f32
    %sub3A_218 = vector.broadcast %sub3A_217 : f32 to vector<16xf32>
    %sub3A_219 = arith.subf %get3A_216, %sub3A_218 : vector<16xf32>
    %swap3A_220 = arith.constant 320 : index
    %swap3A_221 = tpu.vector_load %arg5[%swap3A_220] {strides = array<i32>} : memref<512xf32, #tpu.memory_space<vmem>>, vector<16xf32>,
    %swap3A_222 = vector.shape_cast %swap3A_221 : vector<16xf32> to vector<16xf32>
    %swap3A_223 = vector.shape_cast %sub3A_219 : vector<16xf32> to vector<16xf32>
    tpu.vector_store %arg5[%swap3A_220], %swap3A_223 {strides = array<i32>} : memref<512xf32, #tpu.memory_space<vmem>>, vector<16xf32>,
    %get3A_224 = arith.constant 336 : index
    %get3A_225 = tpu.vector_load %arg5[%get3A_224] {strides = array<i32>} : memref<512xf32, #tpu.memory_space<vmem>>, vector<16xf32>,
    %get3A_226 = vector.shape_cast %get3A_225 : vector<16xf32> to vector<16xf32>
    %sub3A_227 = arith.constant 9.99999997E-7 : f32
    %sub3A_228 = vector.broadcast %sub3A_227 : f32 to vector<16xf32>
    %sub3A_229 = arith.subf %get3A_226, %sub3A_228 : vector<16xf32>
    %swap3A_230 = arith.constant 336 : index
    %swap3A_231 = tpu.vector_load %arg5[%swap3A_230] {strides = array<i32>} : memref<512xf32, #tpu.memory_space<vmem>>, vector<16xf32>,
    %swap3A_232 = vector.shape_cast %swap3A_231 : vector<16xf32> to vector<16xf32>
    %swap3A_233 = vector.shape_cast %sub3A_229 : vector<16xf32> to vector<16xf32>
    tpu.vector_store %arg5[%swap3A_230], %swap3A_233 {strides = array<i32>} : memref<512xf32, #tpu.memory_space<vmem>>, vector<16xf32>,
    %get3A_234 = arith.constant 352 : index
    %get3A_235 = tpu.vector_load %arg5[%get3A_234] {strides = array<i32>} : memref<512xf32, #tpu.memory_space<vmem>>, vector<16xf32>,
    %get3A_236 = vector.shape_cast %get3A_235 : vector<16xf32> to vector<16xf32>
    %sub3A_237 = arith.constant 9.99999997E-7 : f32
    %sub3A_238 = vector.broadcast %sub3A_237 : f32 to vector<16xf32>
    %sub3A_239 = arith.subf %get3A_236, %sub3A_238 : vector<16xf32>
    %swap3A_240 = arith.constant 352 : index
    %swap3A_241 = tpu.vector_load %arg5[%swap3A_240] {strides = array<i32>} : memref<512xf32, #tpu.memory_space<vmem>>, vector<16xf32>,
    %swap3A_242 = vector.shape_cast %swap3A_241 : vector<16xf32> to vector<16xf32>
    %swap3A_243 = vector.shape_cast %sub3A_239 : vector<16xf32> to vector<16xf32>
    tpu.vector_store %arg5[%swap3A_240], %swap3A_243 {strides = array<i32>} : memref<512xf32, #tpu.memory_space<vmem>>, vector<16xf32>,
    %get3A_244 = arith.constant 368 : index
    %get3A_245 = tpu.vector_load %arg5[%get3A_244] {strides = array<i32>} : memref<512xf32, #tpu.memory_space<vmem>>, vector<16xf32>,
    %get3A_246 = vector.shape_cast %get3A_245 : vector<16xf32> to vector<16xf32>
    %sub3A_247 = arith.constant 9.99999997E-7 : f32
    %sub3A_248 = vector.broadcast %sub3A_247 : f32 to vector<16xf32>
    %sub3A_249 = arith.subf %get3A_246, %sub3A_248 : vector<16xf32>
    %swap3A_250 = arith.constant 368 : index
    %swap3A_251 = tpu.vector_load %arg5[%swap3A_250] {strides = array<i32>} : memref<512xf32, #tpu.memory_space<vmem>>, vector<16xf32>,
    %swap3A_252 = vector.shape_cast %swap3A_251 : vector<16xf32> to vector<16xf32>
    %swap3A_253 = vector.shape_cast %sub3A_249 : vector<16xf32> to vector<16xf32>
    tpu.vector_store %arg5[%swap3A_250], %swap3A_253 {strides = array<i32>} : memref<512xf32, #tpu.memory_space<vmem>>, vector<16xf32>,
    %get3A_254 = arith.constant 384 : index
    %get3A_255 = tpu.vector_load %arg5[%get3A_254] {strides = array<i32>} : memref<512xf32, #tpu.memory_space<vmem>>, vector<16xf32>,
    %get3A_256 = vector.shape_cast %get3A_255 : vector<16xf32> to vector<16xf32>
    %sub3A_257 = arith.constant 9.99999997E-7 : f32
    %sub3A_258 = vector.broadcast %sub3A_257 : f32 to vector<16xf32>
    %sub3A_259 = arith.subf %get3A_256, %sub3A_258 : vector<16xf32>
    %swap3A_260 = arith.constant 384 : index
    %swap3A_261 = tpu.vector_load %arg5[%swap3A_260] {strides = array<i32>} : memref<512xf32, #tpu.memory_space<vmem>>, vector<16xf32>,
    %swap3A_262 = vector.shape_cast %swap3A_261 : vector<16xf32> to vector<16xf32>
    %swap3A_263 = vector.shape_cast %sub3A_259 : vector<16xf32> to vector<16xf32>
    tpu.vector_store %arg5[%swap3A_260], %swap3A_263 {strides = array<i32>} : memref<512xf32, #tpu.memory_space<vmem>>, vector<16xf32>,
    %get3A_264 = arith.constant 400 : index
    %get3A_265 = tpu.vector_load %arg5[%get3A_264] {strides = array<i32>} : memref<512xf32, #tpu.memory_space<vmem>>, vector<16xf32>,
    %get3A_266 = vector.shape_cast %get3A_265 : vector<16xf32> to vector<16xf32>
    %sub3A_267 = arith.constant 9.99999997E-7 : f32
    %sub3A_268 = vector.broadcast %sub3A_267 : f32 to vector<16xf32>
    %sub3A_269 = arith.subf %get3A_266, %sub3A_268 : vector<16xf32>
    %swap3A_270 = arith.constant 400 : index
    %swap3A_271 = tpu.vector_load %arg5[%swap3A_270] {strides = array<i32>} : memref<512xf32, #tpu.memory_space<vmem>>, vector<16xf32>,
    %swap3A_272 = vector.shape_cast %swap3A_271 : vector<16xf32> to vector<16xf32>
    %swap3A_273 = vector.shape_cast %sub3A_269 : vector<16xf32> to vector<16xf32>
    tpu.vector_store %arg5[%swap3A_270], %swap3A_273 {strides = array<i32>} : memref<512xf32, #tpu.memory_space<vmem>>, vector<16xf32>,
    %get3A_274 = arith.constant 416 : index
    %get3A_275 = tpu.vector_load %arg5[%get3A_274] {strides = array<i32>} : memref<512xf32, #tpu.memory_space<vmem>>, vector<16xf32>,
    %get3A_276 = vector.shape_cast %get3A_275 : vector<16xf32> to vector<16xf32>
    %sub3A_277 = arith.constant 9.99999997E-7 : f32
    %sub3A_278 = vector.broadcast %sub3A_277 : f32 to vector<16xf32>
    %sub3A_279 = arith.subf %get3A_276, %sub3A_278 : vector<16xf32>
    %swap3A_280 = arith.constant 416 : index
    %swap3A_281 = tpu.vector_load %arg5[%swap3A_280] {strides = array<i32>} : memref<512xf32, #tpu.memory_space<vmem>>, vector<16xf32>,
    %swap3A_282 = vector.shape_cast %swap3A_281 : vector<16xf32> to vector<16xf32>
    %swap3A_283 = vector.shape_cast %sub3A_279 : vector<16xf32> to vector<16xf32>
    tpu.vector_store %arg5[%swap3A_280], %swap3A_283 {strides = array<i32>} : memref<512xf32, #tpu.memory_space<vmem>>, vector<16xf32>,
    %get3A_284 = arith.constant 432 : index
    %get3A_285 = tpu.vector_load %arg5[%get3A_284] {strides = array<i32>} : memref<512xf32, #tpu.memory_space<vmem>>, vector<16xf32>,
    %get3A_286 = vector.shape_cast %get3A_285 : vector<16xf32> to vector<16xf32>
    %sub3A_287 = arith.constant 9.99999997E-7 : f32
    %sub3A_288 = vector.broadcast %sub3A_287 : f32 to vector<16xf32>
    %sub3A_289 = arith.subf %get3A_286, %sub3A_288 : vector<16xf32>
    %swap3A_290 = arith.constant 432 : index
    %swap3A_291 = tpu.vector_load %arg5[%swap3A_290] {strides = array<i32>} : memref<512xf32, #tpu.memory_space<vmem>>, vector<16xf32>,
    %swap3A_292 = vector.shape_cast %swap3A_291 : vector<16xf32> to vector<16xf32>
    %swap3A_293 = vector.shape_cast %sub3A_289 : vector<16xf32> to vector<16xf32>
    tpu.vector_store %arg5[%swap3A_290], %swap3A_293 {strides = array<i32>} : memref<512xf32, #tpu.memory_space<vmem>>, vector<16xf32>,
    %get3A_294 = arith.constant 448 : index
    %get3A_295 = tpu.vector_load %arg5[%get3A_294] {strides = array<i32>} : memref<512xf32, #tpu.memory_space<vmem>>, vector<16xf32>,
    %get3A_296 = vector.shape_cast %get3A_295 : vector<16xf32> to vector<16xf32>
    %sub3A_297 = arith.constant 9.99999997E-7 : f32
    %sub3A_298 = vector.broadcast %sub3A_297 : f32 to vector<16xf32>
    %sub3A_299 = arith.subf %get3A_296, %sub3A_298 : vector<16xf32>
    %swap3A_300 = arith.constant 448 : index
    %swap3A_301 = tpu.vector_load %arg5[%swap3A_300] {strides = array<i32>} : memref<512xf32, #tpu.memory_space<vmem>>, vector<16xf32>,
    %swap3A_302 = vector.shape_cast %swap3A_301 : vector<16xf32> to vector<16xf32>
    %swap3A_303 = vector.shape_cast %sub3A_299 : vector<16xf32> to vector<16xf32>
    tpu.vector_store %arg5[%swap3A_300], %swap3A_303 {strides = array<i32>} : memref<512xf32, #tpu.memory_space<vmem>>, vector<16xf32>,
    %get3A_304 = arith.constant 464 : index
    %get3A_305 = tpu.vector_load %arg5[%get3A_304] {strides = array<i32>} : memref<512xf32, #tpu.memory_space<vmem>>, vector<16xf32>,
    %get3A_306 = vector.shape_cast %get3A_305 : vector<16xf32> to vector<16xf32>
    %sub3A_307 = arith.constant 9.99999997E-7 : f32
    %sub3A_308 = vector.broadcast %sub3A_307 : f32 to vector<16xf32>
    %sub3A_309 = arith.subf %get3A_306, %sub3A_308 : vector<16xf32>
    %swap3A_310 = arith.constant 464 : index
    %swap3A_311 = tpu.vector_load %arg5[%swap3A_310] {strides = array<i32>} : memref<512xf32, #tpu.memory_space<vmem>>, vector<16xf32>,
    %swap3A_312 = vector.shape_cast %swap3A_311 : vector<16xf32> to vector<16xf32>
    %swap3A_313 = vector.shape_cast %sub3A_309 : vector<16xf32> to vector<16xf32>
    tpu.vector_store %arg5[%swap3A_310], %swap3A_313 {strides = array<i32>} : memref<512xf32, #tpu.memory_space<vmem>>, vector<16xf32>,
    %get3A_314 = arith.constant 480 : index
    %get3A_315 = tpu.vector_load %arg5[%get3A_314] {strides = array<i32>} : memref<512xf32, #tpu.memory_space<vmem>>, vector<16xf32>,
    %get3A_316 = vector.shape_cast %get3A_315 : vector<16xf32> to vector<16xf32>
    %sub3A_317 = arith.constant 9.99999997E-7 : f32
    %sub3A_318 = vector.broadcast %sub3A_317 : f32 to vector<16xf32>
    %sub3A_319 = arith.subf %get3A_316, %sub3A_318 : vector<16xf32>
    %swap3A_320 = arith.constant 480 : index
    %swap3A_321 = tpu.vector_load %arg5[%swap3A_320] {strides = array<i32>} : memref<512xf32, #tpu.memory_space<vmem>>, vector<16xf32>,
    %swap3A_322 = vector.shape_cast %swap3A_321 : vector<16xf32> to vector<16xf32>
    %swap3A_323 = vector.shape_cast %sub3A_319 : vector<16xf32> to vector<16xf32>
    tpu.vector_store %arg5[%swap3A_320], %swap3A_323 {strides = array<i32>} : memref<512xf32, #tpu.memory_space<vmem>>, vector<16xf32>,
    %get3A_324 = arith.constant 496 : index
    %get3A_325 = tpu.vector_load %arg5[%get3A_324] {strides = array<i32>} : memref<512xf32, #tpu.memory_space<vmem>>, vector<16xf32>,
    %get3A_326 = vector.shape_cast %get3A_325 : vector<16xf32> to vector<16xf32>
    %sub3A_327 = arith.constant 9.99999997E-7 : f32
    %sub3A_328 = vector.broadcast %sub3A_327 : f32 to vector<16xf32>
    %sub3A_329 = arith.subf %get3A_326, %sub3A_328 : vector<16xf32>
    %swap3A_330 = arith.constant 496 : index
    %swap3A_331 = tpu.vector_load %arg5[%swap3A_330] {strides = array<i32>} : memref<512xf32, #tpu.memory_space<vmem>>, vector<16xf32>,
    %swap3A_332 = vector.shape_cast %swap3A_331 : vector<16xf32> to vector<16xf32>
    %swap3A_333 = vector.shape_cast %sub3A_329 : vector<16xf32> to vector<16xf32>
    tpu.vector_store %arg5[%swap3A_330], %swap3A_333 {strides = array<i32>} : memref<512xf32, #tpu.memory_space<vmem>>, vector<16xf32>,
    %get3A_334 = arith.constant 0 : index
    %get3A_335 = tpu.vector_load %arg5[%get3A_334] {strides = array<i32>} : memref<512xf32, #tpu.memory_space<vmem>>, vector<16xf32>,
    %get3A_336 = vector.shape_cast %get3A_335 : vector<16xf32> to vector<16xf32>
    %get3A_337 = arith.constant 16 : index
    %get3A_338 = tpu.vector_load %arg5[%get3A_337] {strides = array<i32>} : memref<512xf32, #tpu.memory_space<vmem>>, vector<16xf32>,
    %get3A_339 = vector.shape_cast %get3A_338 : vector<16xf32> to vector<16xf32>
    %get3A_340 = arith.constant 32 : index
    %get3A_341 = tpu.vector_load %arg5[%get3A_340] {strides = array<i32>} : memref<512xf32, #tpu.memory_space<vmem>>, vector<16xf32>,
    %get3A_342 = vector.shape_cast %get3A_341 : vector<16xf32> to vector<16xf32>
    %get3A_343 = arith.constant 48 : index
    %get3A_344 = tpu.vector_load %arg5[%get3A_343] {strides = array<i32>} : memref<512xf32, #tpu.memory_space<vmem>>, vector<16xf32>,
    %get3A_345 = vector.shape_cast %get3A_344 : vector<16xf32> to vector<16xf32>
    %get3A_346 = arith.constant 64 : index
    %get3A_347 = tpu.vector_load %arg5[%get3A_346] {strides = array<i32>} : memref<512xf32, #tpu.memory_space<vmem>>, vector<16xf32>,
    %get3A_348 = vector.shape_cast %get3A_347 : vector<16xf32> to vector<16xf32>
    %get3A_349 = arith.constant 80 : index
    %get3A_350 = tpu.vector_load %arg5[%get3A_349] {strides = array<i32>} : memref<512xf32, #tpu.memory_space<vmem>>, vector<16xf32>,
    %get3A_351 = vector.shape_cast %get3A_350 : vector<16xf32> to vector<16xf32>
    %get3A_352 = arith.constant 96 : index
    %get3A_353 = tpu.vector_load %arg5[%get3A_352] {strides = array<i32>} : memref<512xf32, #tpu.memory_space<vmem>>, vector<16xf32>,
    %get3A_354 = vector.shape_cast %get3A_353 : vector<16xf32> to vector<16xf32>
    %get3A_355 = arith.constant 112 : index
    %get3A_356 = tpu.vector_load %arg5[%get3A_355] {strides = array<i32>} : memref<512xf32, #tpu.memory_space<vmem>>, vector<16xf32>,
    %get3A_357 = vector.shape_cast %get3A_356 : vector<16xf32> to vector<16xf32>
    %get3A_358 = arith.constant 128 : index
    %get3A_359 = tpu.vector_load %arg5[%get3A_358] {strides = array<i32>} : memref<512xf32, #tpu.memory_space<vmem>>, vector<16xf32>,
    %get3A_360 = vector.shape_cast %get3A_359 : vector<16xf32> to vector<16xf32>
    %get3A_361 = arith.constant 144 : index
    %get3A_362 = tpu.vector_load %arg5[%get3A_361] {strides = array<i32>} : memref<512xf32, #tpu.memory_space<vmem>>, vector<16xf32>,
    %get3A_363 = vector.shape_cast %get3A_362 : vector<16xf32> to vector<16xf32>
    %get3A_364 = arith.constant 160 : index
    %get3A_365 = tpu.vector_load %arg5[%get3A_364] {strides = array<i32>} : memref<512xf32, #tpu.memory_space<vmem>>, vector<16xf32>,
    %get3A_366 = vector.shape_cast %get3A_365 : vector<16xf32> to vector<16xf32>
    %get3A_367 = arith.constant 176 : index
    %get3A_368 = tpu.vector_load %arg5[%get3A_367] {strides = array<i32>} : memref<512xf32, #tpu.memory_space<vmem>>, vector<16xf32>,
    %get3A_369 = vector.shape_cast %get3A_368 : vector<16xf32> to vector<16xf32>
    %get3A_370 = arith.constant 192 : index
    %get3A_371 = tpu.vector_load %arg5[%get3A_370] {strides = array<i32>} : memref<512xf32, #tpu.memory_space<vmem>>, vector<16xf32>,
    %get3A_372 = vector.shape_cast %get3A_371 : vector<16xf32> to vector<16xf32>
    %get3A_373 = arith.constant 208 : index
    %get3A_374 = tpu.vector_load %arg5[%get3A_373] {strides = array<i32>} : memref<512xf32, #tpu.memory_space<vmem>>, vector<16xf32>,
    %get3A_375 = vector.shape_cast %get3A_374 : vector<16xf32> to vector<16xf32>
    %get3A_376 = arith.constant 224 : index
    %get3A_377 = tpu.vector_load %arg5[%get3A_376] {strides = array<i32>} : memref<512xf32, #tpu.memory_space<vmem>>, vector<16xf32>,
    %get3A_378 = vector.shape_cast %get3A_377 : vector<16xf32> to vector<16xf32>
    %get3A_379 = arith.constant 240 : index
    %get3A_380 = tpu.vector_load %arg5[%get3A_379] {strides = array<i32>} : memref<512xf32, #tpu.memory_space<vmem>>, vector<16xf32>,
    %get3A_381 = vector.shape_cast %get3A_380 : vector<16xf32> to vector<16xf32>
    %get3A_382 = arith.constant 256 : index
    %get3A_383 = tpu.vector_load %arg5[%get3A_382] {strides = array<i32>} : memref<512xf32, #tpu.memory_space<vmem>>, vector<16xf32>,
    %get3A_384 = vector.shape_cast %get3A_383 : vector<16xf32> to vector<16xf32>
    %get3A_385 = arith.constant 272 : index
    %get3A_386 = tpu.vector_load %arg5[%get3A_385] {strides = array<i32>} : memref<512xf32, #tpu.memory_space<vmem>>, vector<16xf32>,
    %get3A_387 = vector.shape_cast %get3A_386 : vector<16xf32> to vector<16xf32>
    %get3A_388 = arith.constant 288 : index
    %get3A_389 = tpu.vector_load %arg5[%get3A_388] {strides = array<i32>} : memref<512xf32, #tpu.memory_space<vmem>>, vector<16xf32>,
    %get3A_390 = vector.shape_cast %get3A_389 : vector<16xf32> to vector<16xf32>
    %get3A_391 = arith.constant 304 : index
    %get3A_392 = tpu.vector_load %arg5[%get3A_391] {strides = array<i32>} : memref<512xf32, #tpu.memory_space<vmem>>, vector<16xf32>,
    %get3A_393 = vector.shape_cast %get3A_392 : vector<16xf32> to vector<16xf32>
    %get3A_394 = arith.constant 320 : index
    %get3A_395 = tpu.vector_load %arg5[%get3A_394] {strides = array<i32>} : memref<512xf32, #tpu.memory_space<vmem>>, vector<16xf32>,
    %get3A_396 = vector.shape_cast %get3A_395 : vector<16xf32> to vector<16xf32>
    %get3A_397 = arith.constant 336 : index
    %get3A_398 = tpu.vector_load %arg5[%get3A_397] {strides = array<i32>} : memref<512xf32, #tpu.memory_space<vmem>>, vector<16xf32>,
    %get3A_399 = vector.shape_cast %get3A_398 : vector<16xf32> to vector<16xf32>
    %get3A_400 = arith.constant 352 : index
    %get3A_401 = tpu.vector_load %arg5[%get3A_400] {strides = array<i32>} : memref<512xf32, #tpu.memory_space<vmem>>, vector<16xf32>,
    %get3A_402 = vector.shape_cast %get3A_401 : vector<16xf32> to vector<16xf32>
    %get3A_403 = arith.constant 368 : index
    %get3A_404 = tpu.vector_load %arg5[%get3A_403] {strides = array<i32>} : memref<512xf32, #tpu.memory_space<vmem>>, vector<16xf32>,
    %get3A_405 = vector.shape_cast %get3A_404 : vector<16xf32> to vector<16xf32>
    %get3A_406 = arith.constant 384 : index
    %get3A_407 = tpu.vector_load %arg5[%get3A_406] {strides = array<i32>} : memref<512xf32, #tpu.memory_space<vmem>>, vector<16xf32>,
    %get3A_408 = vector.shape_cast %get3A_407 : vector<16xf32> to vector<16xf32>
    %get3A_409 = arith.constant 400 : index
    %get3A_410 = tpu.vector_load %arg5[%get3A_409] {strides = array<i32>} : memref<512xf32, #tpu.memory_space<vmem>>, vector<16xf32>,
    %get3A_411 = vector.shape_cast %get3A_410 : vector<16xf32> to vector<16xf32>
    %get3A_412 = arith.constant 416 : index
    %get3A_413 = tpu.vector_load %arg5[%get3A_412] {strides = array<i32>} : memref<512xf32, #tpu.memory_space<vmem>>, vector<16xf32>,
    %get3A_414 = vector.shape_cast %get3A_413 : vector<16xf32> to vector<16xf32>
    %get3A_415 = arith.constant 432 : index
    %get3A_416 = tpu.vector_load %arg5[%get3A_415] {strides = array<i32>} : memref<512xf32, #tpu.memory_space<vmem>>, vector<16xf32>,
    %get3A_417 = vector.shape_cast %get3A_416 : vector<16xf32> to vector<16xf32>
    %get3A_418 = arith.constant 448 : index
    %get3A_419 = tpu.vector_load %arg5[%get3A_418] {strides = array<i32>} : memref<512xf32, #tpu.memory_space<vmem>>, vector<16xf32>,
    %get3A_420 = vector.shape_cast %get3A_419 : vector<16xf32> to vector<16xf32>
    %get3A_421 = arith.constant 464 : index
    %get3A_422 = tpu.vector_load %arg5[%get3A_421] {strides = array<i32>} : memref<512xf32, #tpu.memory_space<vmem>>, vector<16xf32>,
    %get3A_423 = vector.shape_cast %get3A_422 : vector<16xf32> to vector<16xf32>
    %get3A_424 = arith.constant 480 : index
    %get3A_425 = tpu.vector_load %arg5[%get3A_424] {strides = array<i32>} : memref<512xf32, #tpu.memory_space<vmem>>, vector<16xf32>,
    %get3A_426 = vector.shape_cast %get3A_425 : vector<16xf32> to vector<16xf32>
    %get3A_427 = arith.constant 496 : index
    %get3A_428 = tpu.vector_load %arg5[%get3A_427] {strides = array<i32>} : memref<512xf32, #tpu.memory_space<vmem>>, vector<16xf32>,
    %get3A_429 = vector.shape_cast %get3A_428 : vector<16xf32> to vector<16xf32>
    %broadcast_in_dim3A = arith.constant 0.000000e+00 : f32
    %broadcast_in_dim3A_430 = vector.broadcast %broadcast_in_dim3A : f32 to vector<16xf32>
    %add3A_431 = arith.constant 0 : i32
    %add3A_432 = arith.addi %add3A_4, %add3A_431 : i32
    %dma_start3A_433 = arith.constant 0 : i32
    %dma_start3A_434 = arith.constant 0 : i32
    %dma_start3A_435 = arith.constant 0 : i32
    %dma_start3A_436 = tpu.memref_slice %arg6[%dma_start3A_433, %dma_start3A_434, %dma_start3A_435] : memref<2x40x512xf32, #tpu.memory_space<vmem>> -> memref<1x40x512xf32, #tpu.memory_space<vmem>>
    %dma_start3A_437 = tpu.memref_squeeze %dma_start3A_436 : memref<1x40x512xf32, #tpu.memory_space<vmem>> -> memref<40x512xf32, #tpu.memory_space<vmem>>
    %dma_start3A_438 = arith.constant 0 : i32
    %dma_start3A_439 = tpu.memref_slice %arg2[%add3A_432, %dma_start3A_438] : memref<16000x512xf32, #tpu.memory_space<hbm>> -> memref<40x512xf32, #tpu.memory_space<hbm>>
    %dma_start3A_440 = arith.constant 0 : i32
    %dma_start3A_441 = arith.constant 0 : i32
    %dma_start3A_442 = tpu.memref_slice %arg6[%dma_start3A_433, %dma_start3A_440, %dma_start3A_441] : memref<2x40x512xf32, #tpu.memory_space<vmem>> -> memref<1x40x512xf32, #tpu.memory_space<vmem>>
    %dma_start3A_443 = tpu.memref_squeeze %dma_start3A_442 : memref<1x40x512xf32, #tpu.memory_space<vmem>> -> memref<40x512xf32, #tpu.memory_space<vmem>>
    %dma_start3A_444 = arith.constant 0 : i32
    %dma_start3A_445 = tpu.memref_slice %arg2[%add3A_432, %dma_start3A_444] : memref<16000x512xf32, #tpu.memory_space<hbm>> -> memref<40x512xf32, #tpu.memory_space<hbm>>
    tpu.enqueue_dma source(%dma_start3A_445 : memref<40x512xf32, #tpu.memory_space<hbm>>) target(%dma_start3A_443 : memref<40x512xf32, #tpu.memory_space<vmem>>) target_semaphore(%arg8 : memref<!tpu.dma_semaphore, #tpu.memory_space<semaphore_mem>>)
    %dma_wait3A_446 = arith.constant 0 : i32
    %dma_wait3A_447 = arith.constant 0 : i32
    %dma_wait3A_448 = arith.constant 0 : i32
    %dma_wait3A_449 = tpu.memref_slice %arg6[%dma_wait3A_446, %dma_wait3A_447, %dma_wait3A_448] : memref<2x40x512xf32, #tpu.memory_space<vmem>> -> memref<1x40x512xf32, #tpu.memory_space<vmem>>
    %dma_wait3A_450 = tpu.memref_squeeze %dma_wait3A_449 : memref<1x40x512xf32, #tpu.memory_space<vmem>> -> memref<40x512xf32, #tpu.memory_space<vmem>>
    %dma_wait3A_451 = arith.constant 0 : i32
    %dma_wait3A_452 = tpu.memref_slice %arg2[%add3A_432, %dma_wait3A_451] : memref<16000x512xf32, #tpu.memory_space<hbm>> -> memref<40x512xf32, #tpu.memory_space<hbm>>
    %dma_wait3A_453 = arith.constant 0 : i32
    %dma_wait3A_454 = arith.constant 0 : i32
    %dma_wait3A_455 = tpu.memref_slice %arg6[%dma_wait3A_446, %dma_wait3A_453, %dma_wait3A_454] : memref<2x40x512xf32, #tpu.memory_space<vmem>> -> memref<1x40x512xf32, #tpu.memory_space<vmem>>
    %dma_wait3A_456 = tpu.memref_squeeze %dma_wait3A_455 : memref<1x40x512xf32, #tpu.memory_space<vmem>> -> memref<40x512xf32, #tpu.memory_space<vmem>>
    %dma_wait3A_457 = arith.constant 0 : i32
    %dma_wait3A_458 = tpu.memref_slice %arg2[%add3A_432, %dma_wait3A_457] : memref<16000x512xf32, #tpu.memory_space<hbm>> -> memref<40x512xf32, #tpu.memory_space<hbm>>
    tpu.wait_dma2 semaphore(%arg8 : memref<!tpu.dma_semaphore, #tpu.memory_space<semaphore_mem>>) src(%dma_wait3A_458 : memref<40x512xf32, #tpu.memory_space<hbm>>) dst(%dma_wait3A_456 : memref<40x512xf32, #tpu.memory_space<vmem>>)
    %parallel_loop3A = arith.constant 0 : i32
    %parallel_loop3A_459 = arith.constant 40 : i32
    %parallel_loop3A_460 = arith.constant 1 : i32
    %parallel_loop3A_461 = scf.for %parallel_loop3A_468 = %parallel_loop3A to %parallel_loop3A_459 step %parallel_loop3A_460 iter_args(%parallel_loop3A_469 = %broadcast_in_dim3A_430) -> (vector<16xf32>)  : i32 {
      %parallel_loop3A_470 = arith.constant 0.000000e+00 : f32
      %parallel_loop3A_471 = vector.broadcast %parallel_loop3A_470 : f32 to vector<16xf32>
      %parallel_loop3A_472 = arith.constant 0 : i32
      %parallel_loop3A_473 = arith.index_cast %parallel_loop3A_472 : i32 to index
      %parallel_loop3A_474 = arith.index_cast %parallel_loop3A_468 : i32 to index
      %parallel_loop3A_475 = arith.constant 0 : index
      %parallel_loop3A_476 = tpu.vector_load %arg6[%parallel_loop3A_473, %parallel_loop3A_474, %parallel_loop3A_475] {strides = array<i32>} : memref<2x40x512xf32, #tpu.memory_space<vmem>>, vector<1x1x16xf32>,
      %parallel_loop3A_477 = vector.shape_cast %parallel_loop3A_476 : vector<1x1x16xf32> to vector<16xf32>
      %parallel_loop3A_478 = arith.subf %parallel_loop3A_477, %get3A_336 : vector<16xf32>
      %parallel_loop3A_479 = arith.mulf %parallel_loop3A_478, %parallel_loop3A_478 : vector<16xf32>
      %parallel_loop3A_480 = arith.addf %parallel_loop3A_471, %parallel_loop3A_479 : vector<16xf32>
      %parallel_loop3A_481 = arith.constant 0 : i32
      %parallel_loop3A_482 = arith.index_cast %parallel_loop3A_481 : i32 to index
      %parallel_loop3A_483 = arith.index_cast %parallel_loop3A_468 : i32 to index
      %parallel_loop3A_484 = arith.constant 16 : index
      %parallel_loop3A_485 = tpu.vector_load %arg6[%parallel_loop3A_482, %parallel_loop3A_483, %parallel_loop3A_484] {strides = array<i32>} : memref<2x40x512xf32, #tpu.memory_space<vmem>>, vector<1x1x16xf32>,
      %parallel_loop3A_486 = vector.shape_cast %parallel_loop3A_485 : vector<1x1x16xf32> to vector<16xf32>
      %parallel_loop3A_487 = arith.subf %parallel_loop3A_486, %get3A_339 : vector<16xf32>
      %parallel_loop3A_488 = arith.mulf %parallel_loop3A_487, %parallel_loop3A_487 : vector<16xf32>
      %parallel_loop3A_489 = arith.addf %parallel_loop3A_480, %parallel_loop3A_488 : vector<16xf32>
      %parallel_loop3A_490 = arith.constant 0 : i32
      %parallel_loop3A_491 = arith.index_cast %parallel_loop3A_490 : i32 to index
      %parallel_loop3A_492 = arith.index_cast %parallel_loop3A_468 : i32 to index
      %parallel_loop3A_493 = arith.constant 32 : index
      %parallel_loop3A_494 = tpu.vector_load %arg6[%parallel_loop3A_491, %parallel_loop3A_492, %parallel_loop3A_493] {strides = array<i32>} : memref<2x40x512xf32, #tpu.memory_space<vmem>>, vector<1x1x16xf32>,
      %parallel_loop3A_495 = vector.shape_cast %parallel_loop3A_494 : vector<1x1x16xf32> to vector<16xf32>
      %parallel_loop3A_496 = arith.subf %parallel_loop3A_495, %get3A_342 : vector<16xf32>
      %parallel_loop3A_497 = arith.mulf %parallel_loop3A_496, %parallel_loop3A_496 : vector<16xf32>
      %parallel_loop3A_498 = arith.addf %parallel_loop3A_489, %parallel_loop3A_497 : vector<16xf32>
      %parallel_loop3A_499 = arith.constant 0 : i32
      %parallel_loop3A_500 = arith.index_cast %parallel_loop3A_499 : i32 to index
      %parallel_loop3A_501 = arith.index_cast %parallel_loop3A_468 : i32 to index
      %parallel_loop3A_502 = arith.constant 48 : index
      %parallel_loop3A_503 = tpu.vector_load %arg6[%parallel_loop3A_500, %parallel_loop3A_501, %parallel_loop3A_502] {strides = array<i32>} : memref<2x40x512xf32, #tpu.memory_space<vmem>>, vector<1x1x16xf32>,
      %parallel_loop3A_504 = vector.shape_cast %parallel_loop3A_503 : vector<1x1x16xf32> to vector<16xf32>
      %parallel_loop3A_505 = arith.subf %parallel_loop3A_504, %get3A_345 : vector<16xf32>
      %parallel_loop3A_506 = arith.mulf %parallel_loop3A_505, %parallel_loop3A_505 : vector<16xf32>
      %parallel_loop3A_507 = arith.addf %parallel_loop3A_498, %parallel_loop3A_506 : vector<16xf32>
      %parallel_loop3A_508 = arith.constant 0 : i32
      %parallel_loop3A_509 = arith.index_cast %parallel_loop3A_508 : i32 to index
      %parallel_loop3A_510 = arith.index_cast %parallel_loop3A_468 : i32 to index
      %parallel_loop3A_511 = arith.constant 64 : index
      %parallel_loop3A_512 = tpu.vector_load %arg6[%parallel_loop3A_509, %parallel_loop3A_510, %parallel_loop3A_511] {strides = array<i32>} : memref<2x40x512xf32, #tpu.memory_space<vmem>>, vector<1x1x16xf32>,
      %parallel_loop3A_513 = vector.shape_cast %parallel_loop3A_512 : vector<1x1x16xf32> to vector<16xf32>
      %parallel_loop3A_514 = arith.subf %parallel_loop3A_513, %get3A_348 : vector<16xf32>
      %parallel_loop3A_515 = arith.mulf %parallel_loop3A_514, %parallel_loop3A_514 : vector<16xf32>
      %parallel_loop3A_516 = arith.addf %parallel_loop3A_507, %parallel_loop3A_515 : vector<16xf32>
      %parallel_loop3A_517 = arith.constant 0 : i32
      %parallel_loop3A_518 = arith.index_cast %parallel_loop3A_517 : i32 to index
      %parallel_loop3A_519 = arith.index_cast %parallel_loop3A_468 : i32 to index
      %parallel_loop3A_520 = arith.constant 80 : index
      %parallel_loop3A_521 = tpu.vector_load %arg6[%parallel_loop3A_518, %parallel_loop3A_519, %parallel_loop3A_520] {strides = array<i32>} : memref<2x40x512xf32, #tpu.memory_space<vmem>>, vector<1x1x16xf32>,
      %parallel_loop3A_522 = vector.shape_cast %parallel_loop3A_521 : vector<1x1x16xf32> to vector<16xf32>
      %parallel_loop3A_523 = arith.subf %parallel_loop3A_522, %get3A_351 : vector<16xf32>
      %parallel_loop3A_524 = arith.mulf %parallel_loop3A_523, %parallel_loop3A_523 : vector<16xf32>
      %parallel_loop3A_525 = arith.addf %parallel_loop3A_516, %parallel_loop3A_524 : vector<16xf32>
      %parallel_loop3A_526 = arith.constant 0 : i32
      %parallel_loop3A_527 = arith.index_cast %parallel_loop3A_526 : i32 to index
      %parallel_loop3A_528 = arith.index_cast %parallel_loop3A_468 : i32 to index
      %parallel_loop3A_529 = arith.constant 96 : index
      %parallel_loop3A_530 = tpu.vector_load %arg6[%parallel_loop3A_527, %parallel_loop3A_528, %parallel_loop3A_529] {strides = array<i32>} : memref<2x40x512xf32, #tpu.memory_space<vmem>>, vector<1x1x16xf32>,
      %parallel_loop3A_531 = vector.shape_cast %parallel_loop3A_530 : vector<1x1x16xf32> to vector<16xf32>
      %parallel_loop3A_532 = arith.subf %parallel_loop3A_531, %get3A_354 : vector<16xf32>
      %parallel_loop3A_533 = arith.mulf %parallel_loop3A_532, %parallel_loop3A_532 : vector<16xf32>
      %parallel_loop3A_534 = arith.addf %parallel_loop3A_525, %parallel_loop3A_533 : vector<16xf32>
      %parallel_loop3A_535 = arith.constant 0 : i32
      %parallel_loop3A_536 = arith.index_cast %parallel_loop3A_535 : i32 to index
      %parallel_loop3A_537 = arith.index_cast %parallel_loop3A_468 : i32 to index
      %parallel_loop3A_538 = arith.constant 112 : index
      %parallel_loop3A_539 = tpu.vector_load %arg6[%parallel_loop3A_536, %parallel_loop3A_537, %parallel_loop3A_538] {strides = array<i32>} : memref<2x40x512xf32, #tpu.memory_space<vmem>>, vector<1x1x16xf32>,
      %parallel_loop3A_540 = vector.shape_cast %parallel_loop3A_539 : vector<1x1x16xf32> to vector<16xf32>
      %parallel_loop3A_541 = arith.subf %parallel_loop3A_540, %get3A_357 : vector<16xf32>
      %parallel_loop3A_542 = arith.mulf %parallel_loop3A_541, %parallel_loop3A_541 : vector<16xf32>
      %parallel_loop3A_543 = arith.addf %parallel_loop3A_534, %parallel_loop3A_542 : vector<16xf32>
      %parallel_loop3A_544 = arith.constant 0 : i32
      %parallel_loop3A_545 = arith.index_cast %parallel_loop3A_544 : i32 to index
      %parallel_loop3A_546 = arith.index_cast %parallel_loop3A_468 : i32 to index
      %parallel_loop3A_547 = arith.constant 128 : index
      %parallel_loop3A_548 = tpu.vector_load %arg6[%parallel_loop3A_545, %parallel_loop3A_546, %parallel_loop3A_547] {strides = array<i32>} : memref<2x40x512xf32, #tpu.memory_space<vmem>>, vector<1x1x16xf32>,
      %parallel_loop3A_549 = vector.shape_cast %parallel_loop3A_548 : vector<1x1x16xf32> to vector<16xf32>
      %parallel_loop3A_550 = arith.subf %parallel_loop3A_549, %get3A_360 : vector<16xf32>
      %parallel_loop3A_551 = arith.mulf %parallel_loop3A_550, %parallel_loop3A_550 : vector<16xf32>
      %parallel_loop3A_552 = arith.addf %parallel_loop3A_543, %parallel_loop3A_551 : vector<16xf32>
      %parallel_loop3A_553 = arith.constant 0 : i32
      %parallel_loop3A_554 = arith.index_cast %parallel_loop3A_553 : i32 to index
      %parallel_loop3A_555 = arith.index_cast %parallel_loop3A_468 : i32 to index
      %parallel_loop3A_556 = arith.constant 144 : index
      %parallel_loop3A_557 = tpu.vector_load %arg6[%parallel_loop3A_554, %parallel_loop3A_555, %parallel_loop3A_556] {strides = array<i32>} : memref<2x40x512xf32, #tpu.memory_space<vmem>>, vector<1x1x16xf32>,
      %parallel_loop3A_558 = vector.shape_cast %parallel_loop3A_557 : vector<1x1x16xf32> to vector<16xf32>
      %parallel_loop3A_559 = arith.subf %parallel_loop3A_558, %get3A_363 : vector<16xf32>
      %parallel_loop3A_560 = arith.mulf %parallel_loop3A_559, %parallel_loop3A_559 : vector<16xf32>
      %parallel_loop3A_561 = arith.addf %parallel_loop3A_552, %parallel_loop3A_560 : vector<16xf32>
      %parallel_loop3A_562 = arith.constant 0 : i32
      %parallel_loop3A_563 = arith.index_cast %parallel_loop3A_562 : i32 to index
      %parallel_loop3A_564 = arith.index_cast %parallel_loop3A_468 : i32 to index
      %parallel_loop3A_565 = arith.constant 160 : index
      %parallel_loop3A_566 = tpu.vector_load %arg6[%parallel_loop3A_563, %parallel_loop3A_564, %parallel_loop3A_565] {strides = array<i32>} : memref<2x40x512xf32, #tpu.memory_space<vmem>>, vector<1x1x16xf32>,
      %parallel_loop3A_567 = vector.shape_cast %parallel_loop3A_566 : vector<1x1x16xf32> to vector<16xf32>
      %parallel_loop3A_568 = arith.subf %parallel_loop3A_567, %get3A_366 : vector<16xf32>
      %parallel_loop3A_569 = arith.mulf %parallel_loop3A_568, %parallel_loop3A_568 : vector<16xf32>
      %parallel_loop3A_570 = arith.addf %parallel_loop3A_561, %parallel_loop3A_569 : vector<16xf32>
      %parallel_loop3A_571 = arith.constant 0 : i32
      %parallel_loop3A_572 = arith.index_cast %parallel_loop3A_571 : i32 to index
      %parallel_loop3A_573 = arith.index_cast %parallel_loop3A_468 : i32 to index
      %parallel_loop3A_574 = arith.constant 176 : index
      %parallel_loop3A_575 = tpu.vector_load %arg6[%parallel_loop3A_572, %parallel_loop3A_573, %parallel_loop3A_574] {strides = array<i32>} : memref<2x40x512xf32, #tpu.memory_space<vmem>>, vector<1x1x16xf32>,
      %parallel_loop3A_576 = vector.shape_cast %parallel_loop3A_575 : vector<1x1x16xf32> to vector<16xf32>
      %parallel_loop3A_577 = arith.subf %parallel_loop3A_576, %get3A_369 : vector<16xf32>
      %parallel_loop3A_578 = arith.mulf %parallel_loop3A_577, %parallel_loop3A_577 : vector<16xf32>
      %parallel_loop3A_579 = arith.addf %parallel_loop3A_570, %parallel_loop3A_578 : vector<16xf32>
      %parallel_loop3A_580 = arith.constant 0 : i32
      %parallel_loop3A_581 = arith.index_cast %parallel_loop3A_580 : i32 to index
      %parallel_loop3A_582 = arith.index_cast %parallel_loop3A_468 : i32 to index
      %parallel_loop3A_583 = arith.constant 192 : index
      %parallel_loop3A_584 = tpu.vector_load %arg6[%parallel_loop3A_581, %parallel_loop3A_582, %parallel_loop3A_583] {strides = array<i32>} : memref<2x40x512xf32, #tpu.memory_space<vmem>>, vector<1x1x16xf32>,
      %parallel_loop3A_585 = vector.shape_cast %parallel_loop3A_584 : vector<1x1x16xf32> to vector<16xf32>
      %parallel_loop3A_586 = arith.subf %parallel_loop3A_585, %get3A_372 : vector<16xf32>
      %parallel_loop3A_587 = arith.mulf %parallel_loop3A_586, %parallel_loop3A_586 : vector<16xf32>
      %parallel_loop3A_588 = arith.addf %parallel_loop3A_579, %parallel_loop3A_587 : vector<16xf32>
      %parallel_loop3A_589 = arith.constant 0 : i32
      %parallel_loop3A_590 = arith.index_cast %parallel_loop3A_589 : i32 to index
      %parallel_loop3A_591 = arith.index_cast %parallel_loop3A_468 : i32 to index
      %parallel_loop3A_592 = arith.constant 208 : index
      %parallel_loop3A_593 = tpu.vector_load %arg6[%parallel_loop3A_590, %parallel_loop3A_591, %parallel_loop3A_592] {strides = array<i32>} : memref<2x40x512xf32, #tpu.memory_space<vmem>>, vector<1x1x16xf32>,
      %parallel_loop3A_594 = vector.shape_cast %parallel_loop3A_593 : vector<1x1x16xf32> to vector<16xf32>
      %parallel_loop3A_595 = arith.subf %parallel_loop3A_594, %get3A_375 : vector<16xf32>
      %parallel_loop3A_596 = arith.mulf %parallel_loop3A_595, %parallel_loop3A_595 : vector<16xf32>
      %parallel_loop3A_597 = arith.addf %parallel_loop3A_588, %parallel_loop3A_596 : vector<16xf32>
      %parallel_loop3A_598 = arith.constant 0 : i32
      %parallel_loop3A_599 = arith.index_cast %parallel_loop3A_598 : i32 to index
      %parallel_loop3A_600 = arith.index_cast %parallel_loop3A_468 : i32 to index
      %parallel_loop3A_601 = arith.constant 224 : index
      %parallel_loop3A_602 = tpu.vector_load %arg6[%parallel_loop3A_599, %parallel_loop3A_600, %parallel_loop3A_601] {strides = array<i32>} : memref<2x40x512xf32, #tpu.memory_space<vmem>>, vector<1x1x16xf32>,
      %parallel_loop3A_603 = vector.shape_cast %parallel_loop3A_602 : vector<1x1x16xf32> to vector<16xf32>
      %parallel_loop3A_604 = arith.subf %parallel_loop3A_603, %get3A_378 : vector<16xf32>
      %parallel_loop3A_605 = arith.mulf %parallel_loop3A_604, %parallel_loop3A_604 : vector<16xf32>
      %parallel_loop3A_606 = arith.addf %parallel_loop3A_597, %parallel_loop3A_605 : vector<16xf32>
      %parallel_loop3A_607 = arith.constant 0 : i32
      %parallel_loop3A_608 = arith.index_cast %parallel_loop3A_607 : i32 to index
      %parallel_loop3A_609 = arith.index_cast %parallel_loop3A_468 : i32 to index
      %parallel_loop3A_610 = arith.constant 240 : index
      %parallel_loop3A_611 = tpu.vector_load %arg6[%parallel_loop3A_608, %parallel_loop3A_609, %parallel_loop3A_610] {strides = array<i32>} : memref<2x40x512xf32, #tpu.memory_space<vmem>>, vector<1x1x16xf32>,
      %parallel_loop3A_612 = vector.shape_cast %parallel_loop3A_611 : vector<1x1x16xf32> to vector<16xf32>
      %parallel_loop3A_613 = arith.subf %parallel_loop3A_612, %get3A_381 : vector<16xf32>
      %parallel_loop3A_614 = arith.mulf %parallel_loop3A_613, %parallel_loop3A_613 : vector<16xf32>
      %parallel_loop3A_615 = arith.addf %parallel_loop3A_606, %parallel_loop3A_614 : vector<16xf32>
      %parallel_loop3A_616 = arith.constant 0 : i32
      %parallel_loop3A_617 = arith.index_cast %parallel_loop3A_616 : i32 to index
      %parallel_loop3A_618 = arith.index_cast %parallel_loop3A_468 : i32 to index
      %parallel_loop3A_619 = arith.constant 256 : index
      %parallel_loop3A_620 = tpu.vector_load %arg6[%parallel_loop3A_617, %parallel_loop3A_618, %parallel_loop3A_619] {strides = array<i32>} : memref<2x40x512xf32, #tpu.memory_space<vmem>>, vector<1x1x16xf32>,
      %parallel_loop3A_621 = vector.shape_cast %parallel_loop3A_620 : vector<1x1x16xf32> to vector<16xf32>
      %parallel_loop3A_622 = arith.subf %parallel_loop3A_621, %get3A_384 : vector<16xf32>
      %parallel_loop3A_623 = arith.mulf %parallel_loop3A_622, %parallel_loop3A_622 : vector<16xf32>
      %parallel_loop3A_624 = arith.addf %parallel_loop3A_615, %parallel_loop3A_623 : vector<16xf32>
      %parallel_loop3A_625 = arith.constant 0 : i32
      %parallel_loop3A_626 = arith.index_cast %parallel_loop3A_625 : i32 to index
      %parallel_loop3A_627 = arith.index_cast %parallel_loop3A_468 : i32 to index
      %parallel_loop3A_628 = arith.constant 272 : index
      %parallel_loop3A_629 = tpu.vector_load %arg6[%parallel_loop3A_626, %parallel_loop3A_627, %parallel_loop3A_628] {strides = array<i32>} : memref<2x40x512xf32, #tpu.memory_space<vmem>>, vector<1x1x16xf32>,
      %parallel_loop3A_630 = vector.shape_cast %parallel_loop3A_629 : vector<1x1x16xf32> to vector<16xf32>
      %parallel_loop3A_631 = arith.subf %parallel_loop3A_630, %get3A_387 : vector<16xf32>
      %parallel_loop3A_632 = arith.mulf %parallel_loop3A_631, %parallel_loop3A_631 : vector<16xf32>
      %parallel_loop3A_633 = arith.addf %parallel_loop3A_624, %parallel_loop3A_632 : vector<16xf32>
      %parallel_loop3A_634 = arith.constant 0 : i32
      %parallel_loop3A_635 = arith.index_cast %parallel_loop3A_634 : i32 to index
      %parallel_loop3A_636 = arith.index_cast %parallel_loop3A_468 : i32 to index
      %parallel_loop3A_637 = arith.constant 288 : index
      %parallel_loop3A_638 = tpu.vector_load %arg6[%parallel_loop3A_635, %parallel_loop3A_636, %parallel_loop3A_637] {strides = array<i32>} : memref<2x40x512xf32, #tpu.memory_space<vmem>>, vector<1x1x16xf32>,
      %parallel_loop3A_639 = vector.shape_cast %parallel_loop3A_638 : vector<1x1x16xf32> to vector<16xf32>
      %parallel_loop3A_640 = arith.subf %parallel_loop3A_639, %get3A_390 : vector<16xf32>
      %parallel_loop3A_641 = arith.mulf %parallel_loop3A_640, %parallel_loop3A_640 : vector<16xf32>
      %parallel_loop3A_642 = arith.addf %parallel_loop3A_633, %parallel_loop3A_641 : vector<16xf32>
      %parallel_loop3A_643 = arith.constant 0 : i32
      %parallel_loop3A_644 = arith.index_cast %parallel_loop3A_643 : i32 to index
      %parallel_loop3A_645 = arith.index_cast %parallel_loop3A_468 : i32 to index
      %parallel_loop3A_646 = arith.constant 304 : index
      %parallel_loop3A_647 = tpu.vector_load %arg6[%parallel_loop3A_644, %parallel_loop3A_645, %parallel_loop3A_646] {strides = array<i32>} : memref<2x40x512xf32, #tpu.memory_space<vmem>>, vector<1x1x16xf32>,
      %parallel_loop3A_648 = vector.shape_cast %parallel_loop3A_647 : vector<1x1x16xf32> to vector<16xf32>
      %parallel_loop3A_649 = arith.subf %parallel_loop3A_648, %get3A_393 : vector<16xf32>
      %parallel_loop3A_650 = arith.mulf %parallel_loop3A_649, %parallel_loop3A_649 : vector<16xf32>
      %parallel_loop3A_651 = arith.addf %parallel_loop3A_642, %parallel_loop3A_650 : vector<16xf32>
      %parallel_loop3A_652 = arith.constant 0 : i32
      %parallel_loop3A_653 = arith.index_cast %parallel_loop3A_652 : i32 to index
      %parallel_loop3A_654 = arith.index_cast %parallel_loop3A_468 : i32 to index
      %parallel_loop3A_655 = arith.constant 320 : index
      %parallel_loop3A_656 = tpu.vector_load %arg6[%parallel_loop3A_653, %parallel_loop3A_654, %parallel_loop3A_655] {strides = array<i32>} : memref<2x40x512xf32, #tpu.memory_space<vmem>>, vector<1x1x16xf32>,
      %parallel_loop3A_657 = vector.shape_cast %parallel_loop3A_656 : vector<1x1x16xf32> to vector<16xf32>
      %parallel_loop3A_658 = arith.subf %parallel_loop3A_657, %get3A_396 : vector<16xf32>
      %parallel_loop3A_659 = arith.mulf %parallel_loop3A_658, %parallel_loop3A_658 : vector<16xf32>
      %parallel_loop3A_660 = arith.addf %parallel_loop3A_651, %parallel_loop3A_659 : vector<16xf32>
      %parallel_loop3A_661 = arith.constant 0 : i32
      %parallel_loop3A_662 = arith.index_cast %parallel_loop3A_661 : i32 to index
      %parallel_loop3A_663 = arith.index_cast %parallel_loop3A_468 : i32 to index
      %parallel_loop3A_664 = arith.constant 336 : index
      %parallel_loop3A_665 = tpu.vector_load %arg6[%parallel_loop3A_662, %parallel_loop3A_663, %parallel_loop3A_664] {strides = array<i32>} : memref<2x40x512xf32, #tpu.memory_space<vmem>>, vector<1x1x16xf32>,
      %parallel_loop3A_666 = vector.shape_cast %parallel_loop3A_665 : vector<1x1x16xf32> to vector<16xf32>
      %parallel_loop3A_667 = arith.subf %parallel_loop3A_666, %get3A_399 : vector<16xf32>
      %parallel_loop3A_668 = arith.mulf %parallel_loop3A_667, %parallel_loop3A_667 : vector<16xf32>
      %parallel_loop3A_669 = arith.addf %parallel_loop3A_660, %parallel_loop3A_668 : vector<16xf32>
      %parallel_loop3A_670 = arith.constant 0 : i32
      %parallel_loop3A_671 = arith.index_cast %parallel_loop3A_670 : i32 to index
      %parallel_loop3A_672 = arith.index_cast %parallel_loop3A_468 : i32 to index
      %parallel_loop3A_673 = arith.constant 352 : index
      %parallel_loop3A_674 = tpu.vector_load %arg6[%parallel_loop3A_671, %parallel_loop3A_672, %parallel_loop3A_673] {strides = array<i32>} : memref<2x40x512xf32, #tpu.memory_space<vmem>>, vector<1x1x16xf32>,
      %parallel_loop3A_675 = vector.shape_cast %parallel_loop3A_674 : vector<1x1x16xf32> to vector<16xf32>
      %parallel_loop3A_676 = arith.subf %parallel_loop3A_675, %get3A_402 : vector<16xf32>
      %parallel_loop3A_677 = arith.mulf %parallel_loop3A_676, %parallel_loop3A_676 : vector<16xf32>
      %parallel_loop3A_678 = arith.addf %parallel_loop3A_669, %parallel_loop3A_677 : vector<16xf32>
      %parallel_loop3A_679 = arith.constant 0 : i32
      %parallel_loop3A_680 = arith.index_cast %parallel_loop3A_679 : i32 to index
      %parallel_loop3A_681 = arith.index_cast %parallel_loop3A_468 : i32 to index
      %parallel_loop3A_682 = arith.constant 368 : index
      %parallel_loop3A_683 = tpu.vector_load %arg6[%parallel_loop3A_680, %parallel_loop3A_681, %parallel_loop3A_682] {strides = array<i32>} : memref<2x40x512xf32, #tpu.memory_space<vmem>>, vector<1x1x16xf32>,
      %parallel_loop3A_684 = vector.shape_cast %parallel_loop3A_683 : vector<1x1x16xf32> to vector<16xf32>
      %parallel_loop3A_685 = arith.subf %parallel_loop3A_684, %get3A_405 : vector<16xf32>
      %parallel_loop3A_686 = arith.mulf %parallel_loop3A_685, %parallel_loop3A_685 : vector<16xf32>
      %parallel_loop3A_687 = arith.addf %parallel_loop3A_678, %parallel_loop3A_686 : vector<16xf32>
      %parallel_loop3A_688 = arith.constant 0 : i32
      %parallel_loop3A_689 = arith.index_cast %parallel_loop3A_688 : i32 to index
      %parallel_loop3A_690 = arith.index_cast %parallel_loop3A_468 : i32 to index
      %parallel_loop3A_691 = arith.constant 384 : index
      %parallel_loop3A_692 = tpu.vector_load %arg6[%parallel_loop3A_689, %parallel_loop3A_690, %parallel_loop3A_691] {strides = array<i32>} : memref<2x40x512xf32, #tpu.memory_space<vmem>>, vector<1x1x16xf32>,
      %parallel_loop3A_693 = vector.shape_cast %parallel_loop3A_692 : vector<1x1x16xf32> to vector<16xf32>
      %parallel_loop3A_694 = arith.subf %parallel_loop3A_693, %get3A_408 : vector<16xf32>
      %parallel_loop3A_695 = arith.mulf %parallel_loop3A_694, %parallel_loop3A_694 : vector<16xf32>
      %parallel_loop3A_696 = arith.addf %parallel_loop3A_687, %parallel_loop3A_695 : vector<16xf32>
      %parallel_loop3A_697 = arith.constant 0 : i32
      %parallel_loop3A_698 = arith.index_cast %parallel_loop3A_697 : i32 to index
      %parallel_loop3A_699 = arith.index_cast %parallel_loop3A_468 : i32 to index
      %parallel_loop3A_700 = arith.constant 400 : index
      %parallel_loop3A_701 = tpu.vector_load %arg6[%parallel_loop3A_698, %parallel_loop3A_699, %parallel_loop3A_700] {strides = array<i32>} : memref<2x40x512xf32, #tpu.memory_space<vmem>>, vector<1x1x16xf32>,
      %parallel_loop3A_702 = vector.shape_cast %parallel_loop3A_701 : vector<1x1x16xf32> to vector<16xf32>
      %parallel_loop3A_703 = arith.subf %parallel_loop3A_702, %get3A_411 : vector<16xf32>
      %parallel_loop3A_704 = arith.mulf %parallel_loop3A_703, %parallel_loop3A_703 : vector<16xf32>
      %parallel_loop3A_705 = arith.addf %parallel_loop3A_696, %parallel_loop3A_704 : vector<16xf32>
      %parallel_loop3A_706 = arith.constant 0 : i32
      %parallel_loop3A_707 = arith.index_cast %parallel_loop3A_706 : i32 to index
      %parallel_loop3A_708 = arith.index_cast %parallel_loop3A_468 : i32 to index
      %parallel_loop3A_709 = arith.constant 416 : index
      %parallel_loop3A_710 = tpu.vector_load %arg6[%parallel_loop3A_707, %parallel_loop3A_708, %parallel_loop3A_709] {strides = array<i32>} : memref<2x40x512xf32, #tpu.memory_space<vmem>>, vector<1x1x16xf32>,
      %parallel_loop3A_711 = vector.shape_cast %parallel_loop3A_710 : vector<1x1x16xf32> to vector<16xf32>
      %parallel_loop3A_712 = arith.subf %parallel_loop3A_711, %get3A_414 : vector<16xf32>
      %parallel_loop3A_713 = arith.mulf %parallel_loop3A_712, %parallel_loop3A_712 : vector<16xf32>
      %parallel_loop3A_714 = arith.addf %parallel_loop3A_705, %parallel_loop3A_713 : vector<16xf32>
      %parallel_loop3A_715 = arith.constant 0 : i32
      %parallel_loop3A_716 = arith.index_cast %parallel_loop3A_715 : i32 to index
      %parallel_loop3A_717 = arith.index_cast %parallel_loop3A_468 : i32 to index
      %parallel_loop3A_718 = arith.constant 432 : index
      %parallel_loop3A_719 = tpu.vector_load %arg6[%parallel_loop3A_716, %parallel_loop3A_717, %parallel_loop3A_718] {strides = array<i32>} : memref<2x40x512xf32, #tpu.memory_space<vmem>>, vector<1x1x16xf32>,
      %parallel_loop3A_720 = vector.shape_cast %parallel_loop3A_719 : vector<1x1x16xf32> to vector<16xf32>
      %parallel_loop3A_721 = arith.subf %parallel_loop3A_720, %get3A_417 : vector<16xf32>
      %parallel_loop3A_722 = arith.mulf %parallel_loop3A_721, %parallel_loop3A_721 : vector<16xf32>
      %parallel_loop3A_723 = arith.addf %parallel_loop3A_714, %parallel_loop3A_722 : vector<16xf32>
      %parallel_loop3A_724 = arith.constant 0 : i32
      %parallel_loop3A_725 = arith.index_cast %parallel_loop3A_724 : i32 to index
      %parallel_loop3A_726 = arith.index_cast %parallel_loop3A_468 : i32 to index
      %parallel_loop3A_727 = arith.constant 448 : index
      %parallel_loop3A_728 = tpu.vector_load %arg6[%parallel_loop3A_725, %parallel_loop3A_726, %parallel_loop3A_727] {strides = array<i32>} : memref<2x40x512xf32, #tpu.memory_space<vmem>>, vector<1x1x16xf32>,
      %parallel_loop3A_729 = vector.shape_cast %parallel_loop3A_728 : vector<1x1x16xf32> to vector<16xf32>
      %parallel_loop3A_730 = arith.subf %parallel_loop3A_729, %get3A_420 : vector<16xf32>
      %parallel_loop3A_731 = arith.mulf %parallel_loop3A_730, %parallel_loop3A_730 : vector<16xf32>
      %parallel_loop3A_732 = arith.addf %parallel_loop3A_723, %parallel_loop3A_731 : vector<16xf32>
      %parallel_loop3A_733 = arith.constant 0 : i32
      %parallel_loop3A_734 = arith.index_cast %parallel_loop3A_733 : i32 to index
      %parallel_loop3A_735 = arith.index_cast %parallel_loop3A_468 : i32 to index
      %parallel_loop3A_736 = arith.constant 464 : index
      %parallel_loop3A_737 = tpu.vector_load %arg6[%parallel_loop3A_734, %parallel_loop3A_735, %parallel_loop3A_736] {strides = array<i32>} : memref<2x40x512xf32, #tpu.memory_space<vmem>>, vector<1x1x16xf32>,
      %parallel_loop3A_738 = vector.shape_cast %parallel_loop3A_737 : vector<1x1x16xf32> to vector<16xf32>
      %parallel_loop3A_739 = arith.subf %parallel_loop3A_738, %get3A_423 : vector<16xf32>
      %parallel_loop3A_740 = arith.mulf %parallel_loop3A_739, %parallel_loop3A_739 : vector<16xf32>
      %parallel_loop3A_741 = arith.addf %parallel_loop3A_732, %parallel_loop3A_740 : vector<16xf32>
      %parallel_loop3A_742 = arith.constant 0 : i32
      %parallel_loop3A_743 = arith.index_cast %parallel_loop3A_742 : i32 to index
      %parallel_loop3A_744 = arith.index_cast %parallel_loop3A_468 : i32 to index
      %parallel_loop3A_745 = arith.constant 480 : index
      %parallel_loop3A_746 = tpu.vector_load %arg6[%parallel_loop3A_743, %parallel_loop3A_744, %parallel_loop3A_745] {strides = array<i32>} : memref<2x40x512xf32, #tpu.memory_space<vmem>>, vector<1x1x16xf32>,
      %parallel_loop3A_747 = vector.shape_cast %parallel_loop3A_746 : vector<1x1x16xf32> to vector<16xf32>
      %parallel_loop3A_748 = arith.subf %parallel_loop3A_747, %get3A_426 : vector<16xf32>
      %parallel_loop3A_749 = arith.mulf %parallel_loop3A_748, %parallel_loop3A_748 : vector<16xf32>
      %parallel_loop3A_750 = arith.addf %parallel_loop3A_741, %parallel_loop3A_749 : vector<16xf32>
      %parallel_loop3A_751 = arith.constant 0 : i32
      %parallel_loop3A_752 = arith.index_cast %parallel_loop3A_751 : i32 to index
      %parallel_loop3A_753 = arith.index_cast %parallel_loop3A_468 : i32 to index
      %parallel_loop3A_754 = arith.constant 496 : index
      %parallel_loop3A_755 = tpu.vector_load %arg6[%parallel_loop3A_752, %parallel_loop3A_753, %parallel_loop3A_754] {strides = array<i32>} : memref<2x40x512xf32, #tpu.memory_space<vmem>>, vector<1x1x16xf32>,
      %parallel_loop3A_756 = vector.shape_cast %parallel_loop3A_755 : vector<1x1x16xf32> to vector<16xf32>
      %parallel_loop3A_757 = arith.subf %parallel_loop3A_756, %get3A_429 : vector<16xf32>
      %parallel_loop3A_758 = arith.mulf %parallel_loop3A_757, %parallel_loop3A_757 : vector<16xf32>
      %parallel_loop3A_759 = arith.addf %parallel_loop3A_750, %parallel_loop3A_758 : vector<16xf32>
      %parallel_loop3A_760 = tpu.iota {dimensions = array<i32: 0>} : vector<16xi32>
      %parallel_loop3A_761 = arith.constant 8 : i32
      %parallel_loop3A_762 = vector.broadcast %parallel_loop3A_761 : i32 to vector<16xi32>
      %parallel_loop3A_763 = arith.xori %parallel_loop3A_760, %parallel_loop3A_762 : vector<16xi32>
      %parallel_loop3A_764 = arith.constant 0 : i32
      %parallel_loop3A_765 = vector.broadcast %parallel_loop3A_764 : i32 to vector<16xi32>
      %parallel_loop3A_766 = arith.cmpi slt, %parallel_loop3A_763, %parallel_loop3A_765 : vector<16xi32>
      %parallel_loop3A_767 = arith.constant 16 : i32
      %parallel_loop3A_768 = vector.broadcast %parallel_loop3A_767 : i32 to vector<16xi32>
      %parallel_loop3A_769 = arith.addi %parallel_loop3A_763, %parallel_loop3A_768 : vector<16xi32>
      %parallel_loop3A_770 = arith.select %parallel_loop3A_766, %parallel_loop3A_769, %parallel_loop3A_763 : vector<16xi1>, vector<16xi32>
      %parallel_loop3A_771 = vector.shape_cast %parallel_loop3A_770 : vector<16xi32> to vector<16x1xi32>
      %parallel_loop3A_772 = vector.shape_cast %parallel_loop3A_771 : vector<16x1xi32> to vector<16xi32>
      %parallel_loop3A_773 = tpu.dynamic_gather %parallel_loop3A_759[%parallel_loop3A_772] in [0] : vector<16xf32>, vector<16xi32> -> vector<16xf32>
      %parallel_loop3A_774 = arith.addf %parallel_loop3A_759, %parallel_loop3A_773 : vector<16xf32>
      %parallel_loop3A_775 = arith.constant 4 : i32
      %parallel_loop3A_776 = vector.broadcast %parallel_loop3A_775 : i32 to vector<16xi32>
      %parallel_loop3A_777 = arith.xori %parallel_loop3A_760, %parallel_loop3A_776 : vector<16xi32>
      %parallel_loop3A_778 = arith.constant 0 : i32
      %parallel_loop3A_779 = vector.broadcast %parallel_loop3A_778 : i32 to vector<16xi32>
      %parallel_loop3A_780 = arith.cmpi slt, %parallel_loop3A_777, %parallel_loop3A_779 : vector<16xi32>
      %parallel_loop3A_781 = arith.constant 16 : i32
      %parallel_loop3A_782 = vector.broadcast %parallel_loop3A_781 : i32 to vector<16xi32>
      %parallel_loop3A_783 = arith.addi %parallel_loop3A_777, %parallel_loop3A_782 : vector<16xi32>
      %parallel_loop3A_784 = arith.select %parallel_loop3A_780, %parallel_loop3A_783, %parallel_loop3A_777 : vector<16xi1>, vector<16xi32>
      %parallel_loop3A_785 = vector.shape_cast %parallel_loop3A_784 : vector<16xi32> to vector<16x1xi32>
      %parallel_loop3A_786 = vector.shape_cast %parallel_loop3A_785 : vector<16x1xi32> to vector<16xi32>
      %parallel_loop3A_787 = tpu.dynamic_gather %parallel_loop3A_774[%parallel_loop3A_786] in [0] : vector<16xf32>, vector<16xi32> -> vector<16xf32>
      %parallel_loop3A_788 = arith.addf %parallel_loop3A_774, %parallel_loop3A_787 : vector<16xf32>
      %parallel_loop3A_789 = arith.constant 2 : i32
      %parallel_loop3A_790 = vector.broadcast %parallel_loop3A_789 : i32 to vector<16xi32>
      %parallel_loop3A_791 = arith.xori %parallel_loop3A_760, %parallel_loop3A_790 : vector<16xi32>
      %parallel_loop3A_792 = arith.constant 0 : i32
      %parallel_loop3A_793 = vector.broadcast %parallel_loop3A_792 : i32 to vector<16xi32>
      %parallel_loop3A_794 = arith.cmpi slt, %parallel_loop3A_791, %parallel_loop3A_793 : vector<16xi32>
      %parallel_loop3A_795 = arith.constant 16 : i32
      %parallel_loop3A_796 = vector.broadcast %parallel_loop3A_795 : i32 to vector<16xi32>
      %parallel_loop3A_797 = arith.addi %parallel_loop3A_791, %parallel_loop3A_796 : vector<16xi32>
      %parallel_loop3A_798 = arith.select %parallel_loop3A_794, %parallel_loop3A_797, %parallel_loop3A_791 : vector<16xi1>, vector<16xi32>
      %parallel_loop3A_799 = vector.shape_cast %parallel_loop3A_798 : vector<16xi32> to vector<16x1xi32>
      %parallel_loop3A_800 = vector.shape_cast %parallel_loop3A_799 : vector<16x1xi32> to vector<16xi32>
      %parallel_loop3A_801 = tpu.dynamic_gather %parallel_loop3A_788[%parallel_loop3A_800] in [0] : vector<16xf32>, vector<16xi32> -> vector<16xf32>
      %parallel_loop3A_802 = arith.addf %parallel_loop3A_788, %parallel_loop3A_801 : vector<16xf32>
      %parallel_loop3A_803 = arith.constant 1 : i32
      %parallel_loop3A_804 = vector.broadcast %parallel_loop3A_803 : i32 to vector<16xi32>
      %parallel_loop3A_805 = arith.xori %parallel_loop3A_760, %parallel_loop3A_804 : vector<16xi32>
      %parallel_loop3A_806 = arith.constant 0 : i32
      %parallel_loop3A_807 = vector.broadcast %parallel_loop3A_806 : i32 to vector<16xi32>
      %parallel_loop3A_808 = arith.cmpi slt, %parallel_loop3A_805, %parallel_loop3A_807 : vector<16xi32>
      %parallel_loop3A_809 = arith.constant 16 : i32
      %parallel_loop3A_810 = vector.broadcast %parallel_loop3A_809 : i32 to vector<16xi32>
      %parallel_loop3A_811 = arith.addi %parallel_loop3A_805, %parallel_loop3A_810 : vector<16xi32>
      %parallel_loop3A_812 = arith.select %parallel_loop3A_808, %parallel_loop3A_811, %parallel_loop3A_805 : vector<16xi1>, vector<16xi32>
      %parallel_loop3A_813 = vector.shape_cast %parallel_loop3A_812 : vector<16xi32> to vector<16x1xi32>
      %parallel_loop3A_814 = vector.shape_cast %parallel_loop3A_813 : vector<16x1xi32> to vector<16xi32>
      %parallel_loop3A_815 = tpu.dynamic_gather %parallel_loop3A_802[%parallel_loop3A_814] in [0] : vector<16xf32>, vector<16xi32> -> vector<16xf32>
      %parallel_loop3A_816 = arith.addf %parallel_loop3A_802, %parallel_loop3A_815 : vector<16xf32>
      %parallel_loop3A_817 = arith.constant -1.000000e-01 : f32
      %parallel_loop3A_818 = vector.broadcast %parallel_loop3A_817 : f32 to vector<16xf32>
      %parallel_loop3A_819 = arith.mulf %parallel_loop3A_816, %parallel_loop3A_818 : vector<16xf32>
      %parallel_loop3A_820 = math.exp %parallel_loop3A_819 : vector<16xf32>
      %parallel_loop3A_821 = arith.addf %parallel_loop3A_469, %parallel_loop3A_820 : vector<16xf32>
      scf.yield %parallel_loop3A_821 : vector<16xf32>
    } {sc.loop_unroll_factor = 2 : i64, sc.parallel_access}
    %swap3A_462 = arith.constant 0 : index
    %swap3A_463 = tpu.vector_load %arg7[%swap3A_462] {strides = array<i32>} : memref<16xf32, #tpu.memory_space<vmem>>, vector<16xf32>,
    %swap3A_464 = vector.shape_cast %swap3A_463 : vector<16xf32> to vector<16xf32>
    %swap3A_465 = vector.shape_cast %parallel_loop3A_461 : vector<16xf32> to vector<16xf32>
    tpu.vector_store %arg7[%swap3A_462], %swap3A_465 {strides = array<i32>} : memref<16xf32, #tpu.memory_space<vmem>>, vector<16xf32>,
    %mul3A_466 = arith.constant 16 : i32
    %mul3A_467 = arith.muli %add3A, %mul3A_466 : i32
    "tpu.region"() ({
      %run_scoped3A = tpu.sem_alloc : memref<!tpu.dma_semaphore, #tpu.memory_space<semaphore_mem>>
      %dma_start3A_468 = tpu.memref_slice %arg4[%mul3A_467] : memref<512xf32, #tpu.memory_space<hbm>> -> memref<16xf32, #tpu.memory_space<hbm>>
      %dma_start3A_469 = tpu.memref_slice %arg4[%mul3A_467] : memref<512xf32, #tpu.memory_space<hbm>> -> memref<16xf32, #tpu.memory_space<hbm>>
      tpu.enqueue_dma source(%arg7 : memref<16xf32, #tpu.memory_space<vmem>>) target(%dma_start3A_469 : memref<16xf32, #tpu.memory_space<hbm>>) target_semaphore(%run_scoped3A : memref<!tpu.dma_semaphore, #tpu.memory_space<semaphore_mem>>)
      %dma_wait3A_470 = tpu.memref_slice %arg4[%mul3A_467] : memref<512xf32, #tpu.memory_space<hbm>> -> memref<16xf32, #tpu.memory_space<hbm>>
      %dma_wait3A_471 = tpu.memref_slice %arg4[%mul3A_467] : memref<512xf32, #tpu.memory_space<hbm>> -> memref<16xf32, #tpu.memory_space<hbm>>
      tpu.wait_dma2 semaphore(%run_scoped3A : memref<!tpu.dma_semaphore, #tpu.memory_space<semaphore_mem>>) src(%arg7 : memref<16xf32, #tpu.memory_space<vmem>>) dst(%dma_wait3A_471 : memref<16xf32, #tpu.memory_space<hbm>>)
      tpu.yield
    }) : () -> ()
    return
  }
}

module attributes {stable_mosaic.version = 14 : i64} {
  func.func @_tc_kernel(%arg0: i32, %arg1: memref<1xi32, #tpu.memory_space<smem>>, %arg2: memref<3680x512xf32, #tpu.memory_space<vmem>>, %arg3: memref<1x16x512xf32, #tpu.memory_space<vmem>>, %arg4: memref<1x1x16xi32, #tpu.memory_space<vmem>>, %arg5: memref<1x512xf32, #tpu.memory_space<vmem>>, %arg6: memref<1x8xf32, #tpu.memory_space<vmem>>, %arg7: memref<1xf32, #tpu.memory_space<smem>>) attributes {dimension_semantics = [#tpu.dimension_semantics<arbitrary>], iteration_bounds = array<i64: 4>, scalar_prefetch = 1 : i64, scratch_operands = 1 : i64, tpu.core_type = #tpu.core_type<tc>, window_params = [{transform_indices = @transform_0, window_bounds = array<i64: 3680, 512>}, {transform_indices = @transform_1, window_bounds = array<i64: 1, 16, 512>}, {transform_indices = @transform_2, window_bounds = array<i64: 1, 1, 16>}, {pipeline_mode = #tpu.pipeline_mode<synchronous>, transform_indices = @transform_3, window_bounds = array<i64: 1, 512>}, {pipeline_mode = #tpu.pipeline_mode<synchronous>, transform_indices = @transform_4, window_bounds = array<i64: 1, 8>}]} {
    %eq3A = arith.constant 0 : i32
    %eq3A_0 = arith.cmpi eq, %arg0, %eq3A : i32
    %convert_element_type3A = arith.extui %eq3A_0 : i1 to i32
    %cond3A = arith.constant 0 : i32
    %cond3A_1 = arith.cmpi ne, %convert_element_type3A, %cond3A : i32
    scf.if %cond3A_1 {
      %swap3A_28 = arith.constant 0.000000e+00 : f32
      %swap3A_29 = arith.constant 0 : index
      %swap3A_30 = memref.load %arg7[%swap3A_29] : memref<1xf32, #tpu.memory_space<smem>>
      memref.store %swap3A_28, %arg7[%swap3A_29] : memref<1xf32, #tpu.memory_space<smem>>
    } else {
    }
    %get3A = arith.constant 0 : index
    %get3A_2 = arith.constant 0 : index
    %get3A_3 = vector.load %arg5[%get3A, %get3A_2] : memref<1x512xf32, #tpu.memory_space<vmem>>, vector<1x512xf32>
    %sub3A = arith.constant 9.99999997E-7 : f32
    %sub3A_4 = vector.broadcast %sub3A : f32 to vector<1x512xf32>
    %sub3A_5 = arith.subf %get3A_3, %sub3A_4 : vector<1x512xf32>
    %get3A_6 = arith.constant 0 : index
    %get3A_7 = arith.constant 0 : index
    %get3A_8 = vector.load %arg2[%get3A_6, %get3A_7] : memref<3680x512xf32, #tpu.memory_space<vmem>>, vector<3680x512xf32>
    %sub3A_9 = vector.broadcast %sub3A_5 : vector<1x512xf32> to vector<3680x512xf32>
    %sub3A_10 = arith.subf %get3A_8, %sub3A_9 : vector<3680x512xf32>
    %mul3A = arith.mulf %sub3A_10, %sub3A_10 : vector<3680x512xf32>
    %reduce_sum3A = arith.constant dense<0.000000e+00> : vector<3680xf32>
    %reduce_sum3A_11 = vector.multi_reduction <add>, %mul3A, %reduce_sum3A [1] : vector<3680x512xf32> to vector<3680xf32>
    %broadcast_in_dim3A = vector.shape_cast %reduce_sum3A_11 : vector<3680xf32> to vector<3680x1xf32>
    %mul3A_12 = arith.constant -1.000000e-01 : f32
    %mul3A_13 = vector.broadcast %mul3A_12 : f32 to vector<3680x1xf32>
    %mul3A_14 = arith.mulf %mul3A_13, %broadcast_in_dim3A : vector<3680x1xf32>
    %exp3A = math.exp %mul3A_14 : vector<3680x1xf32>
    %get3A_15 = arith.constant 0 : index
    %get3A_16 = memref.load %arg7[%get3A_15] : memref<1xf32, #tpu.memory_space<smem>>
    %reduce_sum3A_17 = vector.shape_cast %exp3A : vector<3680x1xf32> to vector<1x3680x1xf32>
    %reduce_sum3A_18 = arith.constant dense<0.000000e+00> : vector<1xf32>
    %reduce_sum3A_19 = vector.multi_reduction <add>, %reduce_sum3A_17, %reduce_sum3A_18 [1, 2] : vector<1x3680x1xf32> to vector<1xf32>
    %reduce_sum3A_20 = vector.shape_cast %reduce_sum3A_19 : vector<1xf32> to vector<1x1x1xf32>
    %reduce_sum3A_21 = vector.extract %reduce_sum3A_20[0, 0, 0] : f32 from vector<1x1x1xf32>
    %add3A = arith.addf %get3A_16, %reduce_sum3A_21 : f32
    %swap3A = arith.constant 0 : index
    %swap3A_22 = memref.load %arg7[%swap3A] : memref<1xf32, #tpu.memory_space<smem>>
    memref.store %add3A, %arg7[%swap3A] : memref<1xf32, #tpu.memory_space<smem>>
    %eq3A_23 = arith.constant 3 : i32
    %eq3A_24 = arith.cmpi eq, %arg0, %eq3A_23 : i32
    %convert_element_type3A_25 = arith.extui %eq3A_24 : i1 to i32
    %cond3A_26 = arith.constant 0 : i32
    %cond3A_27 = arith.cmpi ne, %convert_element_type3A_25, %cond3A_26 : i32
    scf.if %cond3A_27 {
      %get3A_28 = arith.constant 0 : index
      %get3A_29 = arith.constant 0 : index
      %get3A_30 = arith.constant 0 : index
      %get3A_31 = vector.load %arg3[%get3A_28, %get3A_29, %get3A_30] : memref<1x16x512xf32, #tpu.memory_space<vmem>>, vector<1x16x512xf32>
      %get3A_32 = vector.shape_cast %get3A_31 : vector<1x16x512xf32> to vector<16x512xf32>
      %sub3A_33 = vector.broadcast %get3A_3 : vector<1x512xf32> to vector<16x512xf32>
      %sub3A_34 = arith.subf %get3A_32, %sub3A_33 : vector<16x512xf32>
      %add3A_35 = arith.constant 9.99999997E-7 : f32
      %add3A_36 = vector.broadcast %add3A_35 : f32 to vector<16x512xf32>
      %add3A_37 = arith.addf %sub3A_34, %add3A_36 : vector<16x512xf32>
      %mul3A_38 = arith.mulf %add3A_37, %add3A_37 : vector<16x512xf32>
      %reduce_sum3A_39 = arith.constant dense<0.000000e+00> : vector<16xf32>
      %reduce_sum3A_40 = vector.multi_reduction <add>, %mul3A_38, %reduce_sum3A_39 [1] : vector<16x512xf32> to vector<16xf32>
      %broadcast_in_dim3A_41 = vector.shape_cast %reduce_sum3A_40 : vector<16xf32> to vector<16x1xf32>
      %sqrt3A = math.sqrt %broadcast_in_dim3A_41 : vector<16x1xf32>
      %reduce_min3A = vector.shape_cast %sqrt3A : vector<16x1xf32> to vector<1x16x1xf32>
      %reduce_min3A_42 = arith.constant dense<0x7F800000> : vector<1xf32>
      %reduce_min3A_43 = vector.multi_reduction <minimumf>, %reduce_min3A, %reduce_min3A_42 [1, 2] : vector<1x16x1xf32> to vector<1xf32>
      %reduce_min3A_44 = vector.shape_cast %reduce_min3A_43 : vector<1xf32> to vector<1x1x1xf32>
      %reduce_min3A_45 = vector.extract %reduce_min3A_44[0, 0, 0] : f32 from vector<1x1x1xf32>
      %iota3A = tpu.iota {dimensions = array<i32: 0>} : vector<16x1xi32>
      %eq3A_46 = vector.broadcast %reduce_min3A_45 : f32 to vector<16x1xf32>
      %eq3A_47 = arith.cmpf oeq, %sqrt3A, %eq3A_46 : vector<16x1xf32>
      %jit3A = arith.constant 16 : i32
      %broadcast_in_dim3A_48 = vector.broadcast %jit3A : i32 to vector<16x1xi32>
      %select_n3A = arith.select %eq3A_47, %iota3A, %broadcast_in_dim3A_48 : vector<16x1xi1>, vector<16x1xi32>
      %reduce_min3A_49 = vector.shape_cast %select_n3A : vector<16x1xi32> to vector<1x16x1xi32>
      %reduce_min3A_50 = arith.constant dense<2147483647> : vector<1xi32>
      %reduce_min3A_51 = vector.multi_reduction <minsi>, %reduce_min3A_49, %reduce_min3A_50 [1, 2] : vector<1x16x1xi32> to vector<1xi32>
      %reduce_min3A_52 = vector.shape_cast %reduce_min3A_51 : vector<1xi32> to vector<1x1x1xi32>
      %reduce_min3A_53 = vector.extract %reduce_min3A_52[0, 0, 0] : i32 from vector<1x1x1xi32>
      %get3A_54 = arith.constant 0 : index
      %get3A_55 = arith.constant 0 : index
      %get3A_56 = arith.constant 0 : index
      %get3A_57 = vector.load %arg4[%get3A_54, %get3A_55, %get3A_56] : memref<1x1x16xi32, #tpu.memory_space<vmem>>, vector<1x1x16xi32>
      %get3A_58 = vector.shape_cast %get3A_57 : vector<1x1x16xi32> to vector<1x16xi32>
      %convert_element_type3A_59 = arith.sitofp %get3A_58 : vector<1x16xi32> to vector<1x16xf32>
      %iota3A_60 = tpu.iota {dimensions = array<i32: 1>} : vector<1x16xi32>
      %eq3A_61 = vector.broadcast %reduce_min3A_53 : i32 to vector<1x16xi32>
      %eq3A_62 = arith.cmpi eq, %iota3A_60, %eq3A_61 : vector<1x16xi32>
      %jit3A_63 = arith.constant 0.000000e+00 : f32
      %broadcast_in_dim3A_64 = vector.broadcast %jit3A_63 : f32 to vector<1x16xf32>
      %select_n3A_65 = arith.select %eq3A_62, %convert_element_type3A_59, %broadcast_in_dim3A_64 : vector<1x16xi1>, vector<1x16xf32>
      %reduce_sum3A_66 = vector.shape_cast %select_n3A_65 : vector<1x16xf32> to vector<1x1x16xf32>
      %reduce_sum3A_67 = arith.constant dense<0.000000e+00> : vector<1xf32>
      %reduce_sum3A_68 = vector.multi_reduction <add>, %reduce_sum3A_66, %reduce_sum3A_67 [1, 2] : vector<1x1x16xf32> to vector<1xf32>
      %reduce_sum3A_69 = vector.shape_cast %reduce_sum3A_68 : vector<1xf32> to vector<1x1x1xf32>
      %reduce_sum3A_70 = vector.extract %reduce_sum3A_69[0, 0, 0] : f32 from vector<1x1x1xf32>
      %eq3A_71 = vector.broadcast %reduce_min3A_53 : i32 to vector<16x1xi32>
      %eq3A_72 = arith.cmpi eq, %iota3A, %eq3A_71 : vector<16x1xi32>
      %jit3A_73 = arith.constant 0.000000e+00 : f32
      %broadcast_in_dim3A_74 = vector.shape_cast %eq3A_72 : vector<16x1xi1> to vector<16x1xi1>
      %broadcast_in_dim3A_75 = vector.broadcast %broadcast_in_dim3A_74 : vector<16x1xi1> to vector<16x512xi1>
      %broadcast_in_dim3A_76 = vector.broadcast %jit3A_73 : f32 to vector<16x512xf32>
      %select_n3A_77 = arith.select %broadcast_in_dim3A_75, %get3A_32, %broadcast_in_dim3A_76 : vector<16x512xi1>, vector<16x512xf32>
      %reduce_sum3A_78 = arith.constant dense<0.000000e+00> : vector<512xf32>
      %reduce_sum3A_79 = vector.multi_reduction <add>, %select_n3A_77, %reduce_sum3A_78 [0] : vector<16x512xf32> to vector<512xf32>
      %broadcast_in_dim3A_80 = vector.shape_cast %reduce_sum3A_79 : vector<512xf32> to vector<1x512xf32>
      %mul3A_81 = vector.broadcast %reduce_sum3A_70 : f32 to vector<1x512xf32>
      %mul3A_82 = arith.mulf %broadcast_in_dim3A_80, %mul3A_81 : vector<1x512xf32>
      %add3A_83 = arith.addf %mul3A_82, %get3A_3 : vector<1x512xf32>
      %add3A_84 = arith.constant 1.000000e+00 : f32
      %add3A_85 = arith.addf %reduce_sum3A_70, %add3A_84 : f32
      %div3A = vector.broadcast %add3A_85 : f32 to vector<1x512xf32>
      %div3A_86 = arith.divf %add3A_83, %div3A : vector<1x512xf32>
      %lt3A = arith.constant 5.000000e+00 : f32
      %lt3A_87 = arith.cmpf olt, %reduce_min3A_45, %lt3A : f32
      %select_n3A_88 = arith.select %lt3A_87, %div3A_86, %get3A_3 : vector<1x512xf32>
      %sub3A_89 = arith.subf %get3A_3, %select_n3A_88 : vector<1x512xf32>
      %add3A_90 = arith.constant 9.99999997E-7 : f32
      %add3A_91 = vector.broadcast %add3A_90 : f32 to vector<1x512xf32>
      %add3A_92 = arith.addf %sub3A_89, %add3A_91 : vector<1x512xf32>
      %integer_pow3A = arith.mulf %add3A_92, %add3A_92 : vector<1x512xf32>
      %reduce_sum3A_93 = vector.shape_cast %integer_pow3A : vector<1x512xf32> to vector<1x1x512xf32>
      %reduce_sum3A_94 = arith.constant dense<0.000000e+00> : vector<1xf32>
      %reduce_sum3A_95 = vector.multi_reduction <add>, %reduce_sum3A_93, %reduce_sum3A_94 [1, 2] : vector<1x1x512xf32> to vector<1xf32>
      %reduce_sum3A_96 = vector.shape_cast %reduce_sum3A_95 : vector<1xf32> to vector<1x1x1xf32>
      %reduce_sum3A_97 = vector.extract %reduce_sum3A_96[0, 0, 0] : f32 from vector<1x1x1xf32>
      %sub3A_98 = arith.subf %div3A_86, %get3A_3 : vector<1x512xf32>
      %add3A_99 = arith.constant 9.99999997E-7 : f32
      %add3A_100 = vector.broadcast %add3A_99 : f32 to vector<1x512xf32>
      %add3A_101 = arith.addf %sub3A_98, %add3A_100 : vector<1x512xf32>
      %integer_pow3A_102 = arith.mulf %add3A_101, %add3A_101 : vector<1x512xf32>
      %reduce_sum3A_103 = vector.shape_cast %integer_pow3A_102 : vector<1x512xf32> to vector<1x1x512xf32>
      %reduce_sum3A_104 = arith.constant dense<0.000000e+00> : vector<1xf32>
      %reduce_sum3A_105 = vector.multi_reduction <add>, %reduce_sum3A_103, %reduce_sum3A_104 [1, 2] : vector<1x1x512xf32> to vector<1xf32>
      %reduce_sum3A_106 = vector.shape_cast %reduce_sum3A_105 : vector<1xf32> to vector<1x1x1xf32>
      %reduce_sum3A_107 = vector.extract %reduce_sum3A_106[0, 0, 0] : f32 from vector<1x1x1xf32>
      %sqrt3A_108 = math.sqrt %reduce_sum3A_107 : f32
      %mul3A_109 = arith.mulf %sqrt3A_108, %sqrt3A_108 : f32
      %mul3A_110 = arith.constant -1.000000e-01 : f32
      %mul3A_111 = arith.mulf %mul3A_110, %mul3A_109 : f32
      %exp3A_112 = math.exp %mul3A_111 : f32
      %mul3A_113 = arith.mulf %reduce_min3A_45, %reduce_min3A_45 : f32
      %mul3A_114 = arith.constant -1.000000e-01 : f32
      %mul3A_115 = arith.mulf %mul3A_114, %mul3A_113 : f32
      %exp3A_116 = math.exp %mul3A_115 : f32
      %sub3A_117 = arith.subf %exp3A_112, %exp3A_116 : f32
      %jit3A_118 = arith.constant 0.000000e+00 : f32
      %select_n3A_119 = arith.select %lt3A_87, %sub3A_117, %jit3A_118 : f32
      %exp3A_120 = arith.constant -5.120000e-11 : f32
      %exp3A_121 = math.exp %exp3A_120 : f32
      %jit3A_122 = arith.constant 0.000000e+00 : f32
      %select_n3A_123 = arith.select %lt3A_87, %jit3A_122, %exp3A_121 : f32
      %mul3A_124 = arith.mulf %sqrt3A, %sqrt3A : vector<16x1xf32>
      %mul3A_125 = arith.constant -1.000000e-01 : f32
      %mul3A_126 = vector.broadcast %mul3A_125 : f32 to vector<16x1xf32>
      %mul3A_127 = arith.mulf %mul3A_126, %mul3A_124 : vector<16x1xf32>
      %exp3A_128 = math.exp %mul3A_127 : vector<16x1xf32>
      %reduce_sum3A_129 = vector.shape_cast %exp3A_128 : vector<16x1xf32> to vector<1x16x1xf32>
      %reduce_sum3A_130 = arith.constant dense<0.000000e+00> : vector<1xf32>
      %reduce_sum3A_131 = vector.multi_reduction <add>, %reduce_sum3A_129, %reduce_sum3A_130 [1, 2] : vector<1x16x1xf32> to vector<1xf32>
      %reduce_sum3A_132 = vector.shape_cast %reduce_sum3A_131 : vector<1xf32> to vector<1x1x1xf32>
      %reduce_sum3A_133 = vector.extract %reduce_sum3A_132[0, 0, 0] : f32 from vector<1x1x1xf32>
      %iota3A_134 = tpu.iota {dimensions = array<i32: 1>} : vector<1x8xi32>
      %eq3A_135 = arith.constant 0 : i32
      %eq3A_136 = vector.broadcast %eq3A_135 : i32 to vector<1x8xi32>
      %eq3A_137 = arith.cmpi eq, %iota3A_134, %eq3A_136 : vector<1x8xi32>
      %get3A_138 = arith.constant 0 : index
      %get3A_139 = memref.load %arg7[%get3A_138] : memref<1xf32, #tpu.memory_space<smem>>
      %jit3A_140 = arith.constant 0.000000e+00 : f32
      %broadcast_in_dim3A_141 = vector.broadcast %get3A_139 : f32 to vector<1x8xf32>
      %broadcast_in_dim3A_142 = vector.broadcast %jit3A_140 : f32 to vector<1x8xf32>
      %select_n3A_143 = arith.select %eq3A_137, %broadcast_in_dim3A_141, %broadcast_in_dim3A_142 : vector<1x8xi1>, vector<1x8xf32>
      %eq3A_144 = arith.constant 1 : i32
      %eq3A_145 = vector.broadcast %eq3A_144 : i32 to vector<1x8xi32>
      %eq3A_146 = arith.cmpi eq, %iota3A_134, %eq3A_145 : vector<1x8xi32>
      %jit3A_147 = arith.constant 0.000000e+00 : f32
      %broadcast_in_dim3A_148 = vector.broadcast %reduce_sum3A_133 : f32 to vector<1x8xf32>
      %broadcast_in_dim3A_149 = vector.broadcast %jit3A_147 : f32 to vector<1x8xf32>
      %select_n3A_150 = arith.select %eq3A_146, %broadcast_in_dim3A_148, %broadcast_in_dim3A_149 : vector<1x8xi1>, vector<1x8xf32>
      %add3A_151 = arith.addf %select_n3A_143, %select_n3A_150 : vector<1x8xf32>
      %eq3A_152 = arith.constant 2 : i32
      %eq3A_153 = vector.broadcast %eq3A_152 : i32 to vector<1x8xi32>
      %eq3A_154 = arith.cmpi eq, %iota3A_134, %eq3A_153 : vector<1x8xi32>
      %jit3A_155 = arith.constant 0.000000e+00 : f32
      %broadcast_in_dim3A_156 = vector.broadcast %select_n3A_119 : f32 to vector<1x8xf32>
      %broadcast_in_dim3A_157 = vector.broadcast %jit3A_155 : f32 to vector<1x8xf32>
      %select_n3A_158 = arith.select %eq3A_154, %broadcast_in_dim3A_156, %broadcast_in_dim3A_157 : vector<1x8xi1>, vector<1x8xf32>
      %add3A_159 = arith.addf %add3A_151, %select_n3A_158 : vector<1x8xf32>
      %eq3A_160 = arith.constant 3 : i32
      %eq3A_161 = vector.broadcast %eq3A_160 : i32 to vector<1x8xi32>
      %eq3A_162 = arith.cmpi eq, %iota3A_134, %eq3A_161 : vector<1x8xi32>
      %jit3A_163 = arith.constant 0.000000e+00 : f32
      %broadcast_in_dim3A_164 = vector.broadcast %select_n3A_123 : f32 to vector<1x8xf32>
      %broadcast_in_dim3A_165 = vector.broadcast %jit3A_163 : f32 to vector<1x8xf32>
      %select_n3A_166 = arith.select %eq3A_162, %broadcast_in_dim3A_164, %broadcast_in_dim3A_165 : vector<1x8xi1>, vector<1x8xf32>
      %add3A_167 = arith.addf %add3A_159, %select_n3A_166 : vector<1x8xf32>
      %eq3A_168 = arith.constant 4 : i32
      %eq3A_169 = vector.broadcast %eq3A_168 : i32 to vector<1x8xi32>
      %eq3A_170 = arith.cmpi eq, %iota3A_134, %eq3A_169 : vector<1x8xi32>
      %jit3A_171 = arith.constant 0.000000e+00 : f32
      %broadcast_in_dim3A_172 = vector.broadcast %reduce_sum3A_97 : f32 to vector<1x8xf32>
      %broadcast_in_dim3A_173 = vector.broadcast %jit3A_171 : f32 to vector<1x8xf32>
      %select_n3A_174 = arith.select %eq3A_170, %broadcast_in_dim3A_172, %broadcast_in_dim3A_173 : vector<1x8xi1>, vector<1x8xf32>
      %add3A_175 = arith.addf %add3A_167, %select_n3A_174 : vector<1x8xf32>
      %swap3A_176 = arith.constant 0 : index
      %swap3A_177 = arith.constant 0 : index
      %swap3A_178 = vector.load %arg6[%swap3A_176, %swap3A_177] : memref<1x8xf32, #tpu.memory_space<vmem>>, vector<1x8xf32>
      tpu.vector_store %arg6[%swap3A_176, %swap3A_177], %add3A_175 {strides = array<i32>} : memref<1x8xf32, #tpu.memory_space<vmem>>, vector<1x8xf32>,
    } else {
    }
    return
  }
  func.func @transform_0(%arg0: i32, %arg1: memref<1xi32, #tpu.memory_space<smem>>) -> (i32, i32) {
    %c0_i32 = arith.constant 0 : i32
    %c0_i32_0 = arith.constant 0 : i32
    return %arg0, %c0_i32 : i32, i32
  }
  func.func @transform_1(%arg0: i32, %arg1: memref<1xi32, #tpu.memory_space<smem>>) -> (i32, i32, i32) {
    %get3A = arith.constant 0 : index
    %get3A_0 = memref.load %arg1[%get3A] : memref<1xi32, #tpu.memory_space<smem>>
    %c0_i32 = arith.constant 0 : i32
    %c0_i32_1 = arith.constant 0 : i32
    %c0_i32_2 = arith.constant 0 : i32
    return %get3A_0, %c0_i32, %c0_i32_1 : i32, i32, i32
  }
  func.func @transform_2(%arg0: i32, %arg1: memref<1xi32, #tpu.memory_space<smem>>) -> (i32, i32, i32) {
    %get3A = arith.constant 0 : index
    %get3A_0 = memref.load %arg1[%get3A] : memref<1xi32, #tpu.memory_space<smem>>
    %c0_i32 = arith.constant 0 : i32
    %c0_i32_1 = arith.constant 0 : i32
    %c0_i32_2 = arith.constant 0 : i32
    return %get3A_0, %c0_i32, %c0_i32_1 : i32, i32, i32
  }
  func.func @transform_3(%arg0: i32, %arg1: memref<1xi32, #tpu.memory_space<smem>>) -> (i32, i32) {
    %c0_i32 = arith.constant 0 : i32
    %c0_i32_0 = arith.constant 0 : i32
    %c0_i32_1 = arith.constant 0 : i32
    return %c0_i32, %c0_i32_0 : i32, i32
  }
  func.func @transform_4(%arg0: i32, %arg1: memref<1xi32, #tpu.memory_space<smem>>) -> (i32, i32) {
    %c0_i32 = arith.constant 0 : i32
    %c0_i32_0 = arith.constant 0 : i32
    %c0_i32_1 = arith.constant 0 : i32
    return %c0_i32, %c0_i32_0 : i32, i32
  }
}

module attributes {stable_mosaic.version = 14 : i64} {
  func.func @_combine_kernel(%arg0: memref<1x8xf32, #tpu.memory_space<vmem>>, %arg1: memref<512xf32, #tpu.memory_space<vmem>>, %arg2: memref<1x1xf32, #tpu.memory_space<vmem>>) attributes {dimension_semantics = [], scalar_prefetch = 0 : i64, scratch_operands = 0 : i64, tpu.core_type = #tpu.core_type<tc>} {
    %get3A = arith.constant 0 : index
    %get3A_0 = arith.constant 0 : index
    %get3A_1 = vector.load %arg0[%get3A, %get3A_0] : memref<1x8xf32, #tpu.memory_space<vmem>>, vector<1x8xf32>
    %iota3A = tpu.iota {dimensions = array<i32: 1>} : vector<1x8xi32>
    %eq3A = arith.constant 0 : i32
    %eq3A_2 = vector.broadcast %eq3A : i32 to vector<1x8xi32>
    %eq3A_3 = arith.cmpi eq, %iota3A, %eq3A_2 : vector<1x8xi32>
    %jit3A = arith.constant 0.000000e+00 : f32
    %broadcast_in_dim3A = vector.broadcast %jit3A : f32 to vector<1x8xf32>
    %select_n3A = arith.select %eq3A_3, %get3A_1, %broadcast_in_dim3A : vector<1x8xi1>, vector<1x8xf32>
    %reduce_sum3A = vector.shape_cast %select_n3A : vector<1x8xf32> to vector<1x1x8xf32>
    %reduce_sum3A_4 = arith.constant dense<0.000000e+00> : vector<1xf32>
    %reduce_sum3A_5 = vector.multi_reduction <add>, %reduce_sum3A, %reduce_sum3A_4 [1, 2] : vector<1x1x8xf32> to vector<1xf32>
    %reduce_sum3A_6 = vector.shape_cast %reduce_sum3A_5 : vector<1xf32> to vector<1x1x1xf32>
    %reduce_sum3A_7 = vector.extract %reduce_sum3A_6[0, 0, 0] : f32 from vector<1x1x1xf32>
    %eq3A_8 = arith.constant 1 : i32
    %eq3A_9 = vector.broadcast %eq3A_8 : i32 to vector<1x8xi32>
    %eq3A_10 = arith.cmpi eq, %iota3A, %eq3A_9 : vector<1x8xi32>
    %jit3A_11 = arith.constant 0.000000e+00 : f32
    %broadcast_in_dim3A_12 = vector.broadcast %jit3A_11 : f32 to vector<1x8xf32>
    %select_n3A_13 = arith.select %eq3A_10, %get3A_1, %broadcast_in_dim3A_12 : vector<1x8xi1>, vector<1x8xf32>
    %reduce_sum3A_14 = vector.shape_cast %select_n3A_13 : vector<1x8xf32> to vector<1x1x8xf32>
    %reduce_sum3A_15 = arith.constant dense<0.000000e+00> : vector<1xf32>
    %reduce_sum3A_16 = vector.multi_reduction <add>, %reduce_sum3A_14, %reduce_sum3A_15 [1, 2] : vector<1x1x8xf32> to vector<1xf32>
    %reduce_sum3A_17 = vector.shape_cast %reduce_sum3A_16 : vector<1xf32> to vector<1x1x1xf32>
    %reduce_sum3A_18 = vector.extract %reduce_sum3A_17[0, 0, 0] : f32 from vector<1x1x1xf32>
    %eq3A_19 = arith.constant 2 : i32
    %eq3A_20 = vector.broadcast %eq3A_19 : i32 to vector<1x8xi32>
    %eq3A_21 = arith.cmpi eq, %iota3A, %eq3A_20 : vector<1x8xi32>
    %jit3A_22 = arith.constant 0.000000e+00 : f32
    %broadcast_in_dim3A_23 = vector.broadcast %jit3A_22 : f32 to vector<1x8xf32>
    %select_n3A_24 = arith.select %eq3A_21, %get3A_1, %broadcast_in_dim3A_23 : vector<1x8xi1>, vector<1x8xf32>
    %reduce_sum3A_25 = vector.shape_cast %select_n3A_24 : vector<1x8xf32> to vector<1x1x8xf32>
    %reduce_sum3A_26 = arith.constant dense<0.000000e+00> : vector<1xf32>
    %reduce_sum3A_27 = vector.multi_reduction <add>, %reduce_sum3A_25, %reduce_sum3A_26 [1, 2] : vector<1x1x8xf32> to vector<1xf32>
    %reduce_sum3A_28 = vector.shape_cast %reduce_sum3A_27 : vector<1xf32> to vector<1x1x1xf32>
    %reduce_sum3A_29 = vector.extract %reduce_sum3A_28[0, 0, 0] : f32 from vector<1x1x1xf32>
    %eq3A_30 = arith.constant 3 : i32
    %eq3A_31 = vector.broadcast %eq3A_30 : i32 to vector<1x8xi32>
    %eq3A_32 = arith.cmpi eq, %iota3A, %eq3A_31 : vector<1x8xi32>
    %jit3A_33 = arith.constant 0.000000e+00 : f32
    %broadcast_in_dim3A_34 = vector.broadcast %jit3A_33 : f32 to vector<1x8xf32>
    %select_n3A_35 = arith.select %eq3A_32, %get3A_1, %broadcast_in_dim3A_34 : vector<1x8xi1>, vector<1x8xf32>
    %reduce_sum3A_36 = vector.shape_cast %select_n3A_35 : vector<1x8xf32> to vector<1x1x8xf32>
    %reduce_sum3A_37 = arith.constant dense<0.000000e+00> : vector<1xf32>
    %reduce_sum3A_38 = vector.multi_reduction <add>, %reduce_sum3A_36, %reduce_sum3A_37 [1, 2] : vector<1x1x8xf32> to vector<1xf32>
    %reduce_sum3A_39 = vector.shape_cast %reduce_sum3A_38 : vector<1xf32> to vector<1x1x1xf32>
    %reduce_sum3A_40 = vector.extract %reduce_sum3A_39[0, 0, 0] : f32 from vector<1x1x1xf32>
    %eq3A_41 = arith.constant 4 : i32
    %eq3A_42 = vector.broadcast %eq3A_41 : i32 to vector<1x8xi32>
    %eq3A_43 = arith.cmpi eq, %iota3A, %eq3A_42 : vector<1x8xi32>
    %jit3A_44 = arith.constant 0.000000e+00 : f32
    %broadcast_in_dim3A_45 = vector.broadcast %jit3A_44 : f32 to vector<1x8xf32>
    %select_n3A_46 = arith.select %eq3A_43, %get3A_1, %broadcast_in_dim3A_45 : vector<1x8xi1>, vector<1x8xf32>
    %reduce_sum3A_47 = vector.shape_cast %select_n3A_46 : vector<1x8xf32> to vector<1x1x8xf32>
    %reduce_sum3A_48 = arith.constant dense<0.000000e+00> : vector<1xf32>
    %reduce_sum3A_49 = vector.multi_reduction <add>, %reduce_sum3A_47, %reduce_sum3A_48 [1, 2] : vector<1x1x8xf32> to vector<1xf32>
    %reduce_sum3A_50 = vector.shape_cast %reduce_sum3A_49 : vector<1xf32> to vector<1x1x1xf32>
    %reduce_sum3A_51 = vector.extract %reduce_sum3A_50[0, 0, 0] : f32 from vector<1x1x1xf32>
    %get3A_52 = arith.constant 0 : index
    %get3A_53 = vector.load %arg1[%get3A_52] : memref<512xf32, #tpu.memory_space<vmem>>, vector<512xf32>
    %reduce_sum3A_54 = vector.shape_cast %get3A_53 : vector<512xf32> to vector<1x512xf32>
    %reduce_sum3A_55 = arith.constant dense<0.000000e+00> : vector<1xf32>
    %reduce_sum3A_56 = vector.multi_reduction <add>, %reduce_sum3A_54, %reduce_sum3A_55 [1] : vector<1x512xf32> to vector<1xf32>
    %reduce_sum3A_57 = vector.shape_cast %reduce_sum3A_56 : vector<1xf32> to vector<1x1xf32>
    %reduce_sum3A_58 = vector.extract %reduce_sum3A_57[0, 0] : f32 from vector<1x1xf32>
    %mul3A = arith.constant 6.250000e-02 : f32
    %mul3A_59 = arith.mulf %reduce_sum3A_58, %mul3A : f32
    %add3A = arith.addf %reduce_sum3A_7, %mul3A_59 : f32
    %add3A_60 = arith.addf %add3A, %reduce_sum3A_29 : f32
    %add3A_61 = arith.addf %add3A_60, %reduce_sum3A_40 : f32
    %add3A_62 = arith.addf %reduce_sum3A_18, %reduce_sum3A_29 : f32
    %add3A_63 = arith.addf %add3A_62, %reduce_sum3A_40 : f32
    %gt3A = arith.constant 0.000000e+00 : f32
    %gt3A_64 = arith.cmpf ogt, %add3A_61, %gt3A : f32
    %div3A = arith.divf %add3A_63, %add3A_61 : f32
    %add3A_65 = arith.constant 1.000000e-01 : f32
    %add3A_66 = arith.addf %add3A_61, %add3A_65 : f32
    %select_n3A_67 = arith.select %gt3A_64, %div3A, %add3A_66 : f32
    %gt3A_68 = arith.constant 0.000000e+00 : f32
    %gt3A_69 = arith.cmpf ogt, %select_n3A_67, %gt3A_68 : f32
    %add3A_70 = arith.constant 9.99999997E-7 : f32
    %add3A_71 = arith.addf %select_n3A_67, %add3A_70 : f32
    %select_n3A_72 = arith.select %gt3A_69, %select_n3A_67, %add3A_71 : f32
    %log3A = math.log %select_n3A_72 : f32
    %neg3A = arith.constant 0.000000e+00 : f32
    %neg3A_73 = arith.subf %neg3A, %log3A : f32
    %mul3A_74 = arith.constant 1.000000e-01 : f32
    %mul3A_75 = arith.mulf %mul3A_74, %reduce_sum3A_51 : f32
    %add3A_76 = arith.addf %neg3A_73, %mul3A_75 : f32
    %broadcast_in_dim3A_77 = vector.broadcast %add3A_76 : f32 to vector<1x1xf32>
    %swap3A = arith.constant 0 : index
    %swap3A_78 = arith.constant 0 : index
    %swap3A_79 = vector.load %arg2[%swap3A, %swap3A_78] : memref<1x1xf32, #tpu.memory_space<vmem>>, vector<1x1xf32>
    tpu.vector_store %arg2[%swap3A, %swap3A_78], %broadcast_in_dim3A_77 {strides = array<i32>} : memref<1x1xf32, #tpu.memory_space<vmem>>, vector<1x1xf32>,
    return
  }
}

</mosaic_0001>

<sc_bundles>
// kernel: kernel.5.cloned.1.call-start
scs
__scs_entry_jumppad:
0x0: {  	(pc) =	sbr.rel $0x88, $3  }
0x1: {  	(tag) =	ssettag $0x0;
	lr =	simm.s32 $0x1  }
0x2: {  	[smem:$0x3F9D] =	sst lr;
	_ =	strace $0xD0000000  }
0x3: {  	_ = 	snop  }
0x4: {  	_ = 	snop  }
0x5: {  	_ = 	snop  }
0x6: {  	_ = 	snop  }
0x7: {  	_ = 	snop  }
__scs_overlays_trampoline_lowered:
0x8: {  	[smem:$0x3FAC] =	sst s0  }
0x9: {  	[smem:$0x3FAD] =	sst s1  }
0xa: {  	[smem:$0x3FAE] =	sst s2  }
0xb: {  	[smem:$0x3FAF] =	sst s3  }
0xc: {  	[smem:$0x3FB0] =	sst s4  }
0xd: {  	[smem:$0x3FB1] =	sst s5  }
0xe: {  	[smem:$0x3FB2] =	sst s6  }
0xf: {  	[smem:$0x3FB3] =	sst s7  }
0x10: {  	[smem:$0x3FB4] =	sst s8  }
0x11: {  	[smem:$0x3FB5] =	sst s9;
	s0 =	simm.s32 @!p0 $0x0  }
0x12: {  	s1 =	sld [smem:$0x3F9B];
	s0 =	simm.s32 @p0 $0x1  }
0x13: {  	[smem:$0x3FB6] =	sst s0;
	s0 =	simm.s32 @!p1 $0x0  }
0x14: {  	s2 =	sld [smem:$0x3F9A];
	s0 =	simm.s32 @p1 $0x1  }
0x15: {  	[smem:$0x3FB7] =	sst s0;
	s0 =	simm.s32 @!p2 $0x0  }
0x16: {  	s3 =	sld [smem:$0x3FDB];
	s0 =	simm.s32 @p2 $0x1  }
0x17: {  	s4 =	simm.s32 $0x1BF5;
	[smem:$0x3FB9] =	sst s0  }
0x18: {  	s0 =	sld [smem:$0x3F9C];
	_ =	swait.ge [sflag:s4], $0x0  }
0x19: {  	s7 =	sld [smem:$0x3F9D]  }
0x1a: {  	s8 =	sadd.s32 $0xFFFFE003, lr  }
0x1b: {  	s9 =	sadd.s32 $0xFFFFFEF7, lr;
	s5 =	simm.s32 $0xFFFFFFFF;
	p2 =	slt.u32 s8, $0xFFFFF086  }
0x1c: {  	p1 =	slt.u32 s9, $0xF7A;
	s5 =	simm.s32 @!p2 $0x0  }
0x1d: {  	s5 =	simm.s32 @p1 $0x1;
	p0 =	seq.s32 s7, s2  }
0x1e: {  	s7 =	smul.u32 @!p0 $0xF7A, s2;
	p2 =	seq.s32 @!p0 s5, $0x0  }
0x1f: {  	s9 =	smul.u32 $0xF7A, s1;
	s8 =	simm.s32 @!p0 $0x1BF5;
	p2 =	por !p2, p0  }
0x20: {  	[sflag:s8] =	ssyncset.s32 @!p0 $0xFFFFF086;
	s6 =	sadd.s32 @!p0 s3, s7;
	s7 =	simm.s32 @!p0 $0x108  }
0x21: {  	s3 =	sadd.s32 s3, s9;
	s6 =	sadd.s32 @!p0 $0x88, s6;
	s7 =	simm.s32 @p2 $0x1082  }
0x22: {  	[simem:s7], [sflag:s8] =	dma.local @!p0 [hbm:s6], $0xF7A  }
0x23: {  	s9 =	sor.u32 $0xD0000000, s2;
	s6 =	simm.s32 $0x108;
	_ =	swait.ge @!p0 [sflag:s8], $0x0  }
0x24: {  	s3 =	sadd.s32 $0x88, s3;
	s6 =	simm.s32 @!p1 $0x1082;
	[sflag:s4] =	ssyncset.s32 $0xFFFFF086  }
0x25: {  	[simem:s6], [sflag:s4] =	dma.local [hbm:s3], $0xF7A  }
0x26: {  	[smem:$0x3F9D] =	sst s1;
	(tag) =	ssettag s2;
	_ =	strace s9  }
0x27: {  	s1 =	sld [smem:$0x3FAD]  }
0x28: {  	s2 =	sld [smem:$0x3FAE]  }
0x29: {  	s4 =	sld [smem:$0x3FB0]  }
0x2a: {  	p0 =	seq.s32 s5, $0x0;
	s5 =	sld [smem:$0x3FB1]  }
0x2b: {  	s6 =	sld [smem:$0x3FB2]  }
0x2c: {  	s7 =	sld [smem:$0x3FB3]  }
0x2d: {  	s3 =	simm.s32 $0x108;
	s8 =	sld [smem:$0x3FB4]  }
0x2e: {  	s3 =	simm.s32 @!p0 $0x1082;
	s9 =	sld [smem:$0x3FB5]  }
0x2f: {  	lr =	sadd.s32 s0, s3;
	s0 =	sld [smem:$0x3FAC]  }
0x30: {  	s3 =	sld [smem:$0x3FAF]  }
0x31: {  	[smem:$0x3FB8] =	sst s10  }
0x32: {  	s10 =	sld [smem:$0x3FB6];
	_ =	sdelay $0x3  }
0x33: {  	p0 =	seq.s32 s10, $0x1;
	s10 =	sld [smem:$0x3FB8];
	_ =	sdelay $0x3  }
0x34: {  	[smem:$0x3FB8] =	sst s10  }
0x35: {  	s10 =	sld [smem:$0x3FB7];
	_ =	sdelay $0x3  }
0x36: {  	p1 =	seq.s32 s10, $0x1;
	s10 =	sld [smem:$0x3FB8];
	_ =	sdelay $0x3  }
0x37: {  	[smem:$0x3FB8] =	sst s10  }
0x38: {  	s10 =	sld [smem:$0x3FB9]  }
0x39: {  	_ = 	snop;
	(pc) =	sbr.ind lr, $3  }
0x3a: {  	_ = 	snop  }
0x3b: {  	_ = 	snop  }
0x3c: {  	p2 =	seq.s32 s10, $0x1;
	s10 =	sld [smem:$0x3FB8]  }
0x3d: {  	_ =	shalt  }
0x3e: {  	_ =	shalt  }
0x3f: {  	_ =	shalt  }
0x40: {  	_ =	shalt  }
0x41: {  	_ =	shalt  }
0x42: {  	_ =	shalt  }
0x43: {  	_ =	shalt  }
0x44: {  	_ =	shalt  }
0x45: {  	_ =	shalt  }
0x46: {  	_ =	shalt  }
0x47: {  	_ =	shalt  }
0x48: {  	_ =	shalt  }
0x49: {  	_ =	shalt  }
0x4a: {  	_ =	shalt  }
0x4b: {  	_ =	shalt  }
0x4c: {  	_ =	shalt  }
0x4d: {  	_ =	shalt  }
0x4e: {  	_ =	shalt  }
0x4f: {  	_ =	shalt  }
0x50: {  	_ =	shalt  }
0x51: {  	_ =	shalt  }
0x52: {  	_ =	shalt  }
0x53: {  	_ =	shalt  }
0x54: {  	_ =	shalt  }
0x55: {  	_ =	shalt  }
0x56: {  	_ =	shalt  }
0x57: {  	_ =	shalt  }
0x58: {  	_ =	shalt  }
0x59: {  	_ =	shalt  }
0x5a: {  	_ =	shalt  }
0x5b: {  	_ =	shalt  }
0x5c: {  	_ =	shalt  }
0x5d: {  	_ =	shalt  }
0x5e: {  	_ =	shalt  }
0x5f: {  	_ =	shalt  }
0x60: {  	_ =	shalt  }
0x61: {  	_ =	shalt  }
0x62: {  	_ =	shalt  }
0x63: {  	_ =	shalt  }
0x64: {  	_ =	shalt  }
0x65: {  	_ =	shalt  }
0x66: {  	_ =	shalt  }
0x67: {  	_ =	shalt  }
0x68: {  	_ =	shalt  }
0x69: {  	_ =	shalt  }
0x6a: {  	_ =	shalt  }
0x6b: {  	_ =	shalt  }
0x6c: {  	_ =	shalt  }
0x6d: {  	_ =	shalt  }
0x6e: {  	_ =	shalt  }
0x6f: {  	_ =	shalt  }
0x70: {  	_ =	shalt  }
0x71: {  	_ =	shalt  }
0x72: {  	_ =	shalt  }
0x73: {  	_ =	shalt  }
0x74: {  	_ =	shalt  }
0x75: {  	_ =	shalt  }
0x76: {  	_ =	shalt  }
0x77: {  	_ =	shalt  }
0x78: {  	_ =	shalt  }
0x79: {  	_ =	shalt  }
0x7a: {  	_ =	shalt  }
0x7b: {  	_ =	shalt  }
0x7c: {  	_ =	shalt  }
0x7d: {  	_ =	shalt  }
0x7e: {  	_ =	shalt  }
0x7f: {  	_ =	shalt  }
0x80: {  	_ =	shalt  }
0x81: {  	_ =	shalt  }
0x82: {  	_ =	shalt  }
0x83: {  	_ =	shalt  }
0x84: {  	_ =	shalt  }
0x85: {  	_ =	shalt  }
0x86: {  	_ =	shalt  }
0x87: {  	_ =	shalt  }
.Lfunc_end0:
.L_simem_size_0:
called_computation_lowered:
.L_overlay_start_0:
0x88: {  	s2 =	sld [smem:$0x3FD9]  }
0x89: {  	s3 =	sld [smem:$0x3FFE];
	_ =	sdelay $0x1  }
0x8a: {  	s1 =	srdreg.scid  }
0x8b: {  	s0 =	sand.u32 $0x1, s1  }
0x8c: {  	s17 =	sshll.u32 s0, $0xA;
	s2 =	sadd.s32 s3, s2  }
0x8d: {  	s2 =	sadd.s32 s2, s17  }
0x8e: {  	[smem:$0x3FC4] =	sst s2  }
0x8f: {  	_ = 	snop  }
0x90: {  	s2 =	sld [smem:$0x3FC9]  }
0x91: {  	s18 =	sld [smem:$0x3FC7];
	(tm) =	ssettm $0x1  }
0x92: {  	s4 =	sld [smem:$0x3FFB];
	_ =	sdelay $0x3  }
0x93: {  	_ =	strace s4  }
0x94: {  	s4 =	sld [smem:$0x3FFC];
	_ =	sdelay $0x3  }
0x95: {  	_ =	strace s4  }
0x96: {  	s4 =	sld [smem:$0x3FFD];
	_ =	sdelay $0x3  }
0x97: {  	_ =	strace s4  }
0x98: {  	_ =	strace $0x8FFFFFFF  }
0x99: {  	s19 =	sld [smem:$0x3FDB];
	_ =	sdelay $0x1  }
0x9a: {  	s5 =	simm.s32 $_scs_section_size  }
0x9b: {  	s6 =	simm.s32 $_size__tile_overlayer_lowered;
	s7 =	simm.s32 $_tile_overlayer_lowered  }
0x9c: {  	s22 =	simm.s32 $0x1BFF;
	s21 =	sshll.u32 s7, $0x1;
	s4 =	sadd.s32 s5, s19  }
0x9d: {  	s8 =	simm.s32 $0x0;
	s20 =	sshll.u32 s6, $0x1;
	s6 =	sadd.s32 s21, s4  }
0x9e: {  	[timem:s8], [sflag:s22] =	dma.local [hbm:s6], s20  }
0x9f: {  	_ =	swait.ge [sflag:s22], s20  }
0xa0: {  	s5 =	ssub.s32 $0x0, s20;
	[sflag:s22] =	ssyncset.done $0x0  }
0xa1: {  	[sflag:s22] =	ssyncadd.s32 s5;
	_ =	sdelay $0x1  }
0xa2: {  	s23 =	simm.s32 $0x1B8B  }
0xa3: {  	_ =	swait.ge [sflag:s23], $0x1  }
0xa4: {  	[sflag:s23] =	ssyncset.done $0x0  }
0xa5: {  	s25 =	simm.s32 $0x1B8E;
	s24 =	sld [smem:$0x3FFE];
	[sflag:s23] =	ssyncadd.s32 $0xFFFFFFFF  }
0xa6: {  	s26 =	simm.s32 $execute0_lowered;
	[smem:$0x3FD2] =	sst s25  }
0xa7: {  	s6 =	sshll.u32 s26, $0x1;
	_ =	strace $0x80000046;
	[dreg:$0x1] =	wrdreg $0xFFFFFFFF  }
0xa8: {  	s28 =	simm.s32 $_size_execute0_lowered;
	s4 =	sadd.s32 s4, s6;
	[dreg:$0x0] =	wrdreg $0x0  }
0xa9: {  	s6 =	sshll.u32 s28, $0x1;
	[dreg:$0x2] =	wrdreg s4  }
0xaa: {  	[dreg:$0x3] =	wrdreg s6  }
0xab: {  	[dreg:$0x4] =	wrdreg $0xC0  }
0xac: {  	_ =	task [dreg:s8], $0x5FFFF  }
0xad: {  	[dreg:$0x1] =	wrdreg $0xFFFFFFFF  }
0xae: {  	[dreg:$0x0] =	wrdreg $0x60  }
0xaf: {  	[dreg:$0x2] =	wrdreg s18  }
0xb0: {  	[dreg:$0x3] =	wrdreg s2  }
0xb1: {  	[dreg:$0x4] =	wrdreg s24  }
0xb2: {  	[dreg:$0x5] =	wrdreg $0x9  }
0xb3: {  	_ =	task.clear_ibuf [dreg:s8], $0x6FFFF;
	_ =	strace $0x90000046  }
0xb4: {  	s29 =	simm.s32 $0x9;
	_ =	strace $0x80000048  }
0xb5: {  	_ =	swait.ge [sflag:s29], $0x1  }
0xb6: {  	[sflag:s29] =	ssyncadd.s32 $0xFFFFFFFF  }
0xb7: {  	_ =	strace $0x90000048  }
0xb8: {  	_ =	sfence  }
0xb9: {  	s30 =	sld [smem:$0x0];
	_ =	sdelay $0x2  }
0xba: {  	s31 =	sshll.u32 s1, $0xD;
	s1 =	sshrl.u32 s1, $0x2  }
0xbb: {  	s3 =	sand.u32 $0x4000, s31;
	s1 =	sadd.s32 s1, s30  }
0xbc: {  	s0 =	sor.u32 s3, s0;
	s1 =	sshll.u32 s1, $0x11  }
0xbd: {  	s0 =	sor.u32 s1, s0  }
0xbe: {  	s0 =	sadd.s32 $0x8F2B, s0  }
0xbf: {  	[sflag:s0] =	ssyncadd.remote.s32 $0x1  }
0xc0: {  	_ =	sfence.sel $0xFFFF  }
0xc1: {  	[dreg:$0x0] =	wrdreg $0xFFFFFFFF;
	(pc) =	sbr.abs _section_cstart, $3  }
0xc2: {  	[dreg:$0x1] =	wrdreg $0xFFFFFFFF  }
0xc3: {  	_ =	task.clear_ibuf [dreg:s8], $0x2FFFF;
	_ =	strace $0x9FFFFFFF  }
0xc4: {  	(tm) =	ssettm $0x7FFFFFFF  }
0xc5: {  	_ =	shalt  }
tec
execute0_lowered:
.L_overlay_start_1:
0x0: {  	(tag) =	ssettag $0x1  }
0x1: {  	v0 =	vimm.s32 $0xFEDCBA98;
	v1 =	vimm.s32 $0x76543210  }
0x2: {  	s4 =	rddreg [dreg:$0x0];
	v2 =	vimm.s32 $0xBA98FEDC;
	v3 =	vimm.s32 $0x32107654;
	v4 =	vimm.s32 $0xDCFE98BA  }
0x3: {  	s0 =	rddreg [dreg:$0x1];
	v5 =	vimm.s32 $0x54761032;
	v6 =	vimm.s32 $0xEFCDAB89;
	v7 =	vimm.s32 $0x67452301  }
0x4: {  	s5 =	rddreg [dreg:$0x2];
	s2 =	simm.s32 $0x0;
	s3 =	srdreg.scid;
	v0 =	vunpack.c.l.s4.s8 v0;
	v2 =	vunpack.c.l.s4.s8 v2;
	v3 =	vunpack.c.l.s4.s8 v3  }
0x5: {  	s1 =	stileid.u32;
	s10 =	simm.s32 $0xA200;
	s11 =	simm.s32 $0x3;
	v1 =	vunpack.c.l.s4.s8 v1;
	v4 =	vunpack.c.l.s4.s8 v4;
	v5 =	vunpack.c.l.s4.s8 v5  }
0x6: {  	[smem:$0x7FF] =	sst s2;
	s6 =	sand.u32 $0x1, s3;
	s7 =	sshll.u32 s1, $0x1;
	v6 =	vunpack.c.l.s4.s8 v6;
	v2 =	vunpack.c.0.s8.s32 v2;
	v3 =	vunpack.c.0.s8.s32 v3  }
0x7: {  	s12 =	simm.s32 $0x0;
	s3 =	rddreg [dreg:$0x3];
	s7 =	sor.u32 s6, s7;
	v0 =	vunpack.c.0.s8.s32 v0;
	v4 =	vunpack.c.0.s8.s32 v4;
	v5 =	vunpack.c.0.s8.s32 v5  }
0x8: {  	v7 =	vunpack.c.l.s4.s8 v7;
	s6 =	ssub.s32 $0x2, s6;
	v1 =	vunpack.c.0.s8.s32 v1;
	s8 =	smul.u32 $0x5000, s7;
	s7 =	sshll.u32 s7, $0x1;
	v62 =	vcombine.low v3, v2  }
0x9: {  	_ =	strace $0x80000047;
	s9 =	sshrl.u32 s6, $0x1;
	s5 =	sadd.s32 s7, s5;
	v0 =	vand.u32 $0xF, v0;
	v63 =	vcombine.low v5, v4  }
0xa: {  	v6 =	vunpack.c.0.s8.s32 v6;
	v7 =	vunpack.c.0.s8.s32 v7;
	s6 =	ssub.s32 s6, s9;
	s7 =	simm.s32 $0x2;
	s8 =	sshrl.u32 s8, $0x3;
	v0 =	vcombine.low v0, v1;
	[tilespmem:$0x1FFE0] =	vst v62  }
0xb: {  	s9 =	simm.s32 $0x1;
	s5 =	sadd.s32 $0xA00, s5;
	s4 =	sadd.s32 s4, s8;
	[tilespmem:$0x1FFF0] =	vst v63  }
0xc: {  	s6 =	smax.u32 s6, $0x1;
	v37 =	vcombine.low v7, v6;
	s8 =	simm.s32 $0x200;
	s4 =	sadd.s32 $0xE6000, s4;
	[tilespmem:$0x1FFD0] =	vst v0  }
.LBB2_1:
0xd: {  	[tilespmem:s2], [sflag:$0x2] =	stream.linear.gather [hbm4b:s0+s2], $0x200, $0x38;
	[tilespmem:$0xA280] =	vst v63  }
0xe: {  	_ =	swait.ge [sflag:s7], $0x200  }
0xf: {  	[sflag:s7] =	ssyncset.done $0x0  }
0x10: {  	[sflag:s7] =	ssyncadd.s32 $0xFFFFFE00  }
0x11: {  	v0 =	vld [tilespmem:$0x0]  }
0x12: {  	v1 =	vld [tilespmem:$0x10]  }
0x13: {  	v2 =	vld [tilespmem:$0x20]  }
0x14: {  	v3 =	vld [tilespmem:$0x30]  }
0x15: {  	v4 =	vld [tilespmem:$0x40]  }
0x16: {  	v34 =	vadd.f32 $-9.999999970e-07, v0;
	v0 =	vld [tilespmem:$0x50]  }
0x17: {  	v35 =	vadd.f32 $-9.999999970e-07, v1;
	v1 =	vld [tilespmem:$0x60]  }
0x18: {  	v39 =	vadd.f32 $-9.999999970e-07, v2;
	v2 =	vld [tilespmem:$0x70]  }
0x19: {  	v40 =	vadd.f32 $-9.999999970e-07, v3;
	v3 =	vld [tilespmem:$0x80];
	[tilespmem:$0x0] =	vst v34  }
0x1a: {  	v41 =	vadd.f32 $-9.999999970e-07, v4;
	v4 =	vld [tilespmem:$0x90];
	[tilespmem:$0x10] =	vst v35  }
0x1b: {  	[tilespmem:$0x20] =	vst v39;
	v25 =	vadd.f32 $-9.999999970e-07, v0;
	v0 =	vld [tilespmem:$0xA0]  }
0x1c: {  	[tilespmem:$0x30] =	vst v40;
	v26 =	vadd.f32 $-9.999999970e-07, v1;
	v1 =	vld [tilespmem:$0xB0]  }
0x1d: {  	[tilespmem:$0x40] =	vst v41;
	v27 =	vadd.f32 $-9.999999970e-07, v2;
	v2 =	vld [tilespmem:$0xC0]  }
0x1e: {  	v28 =	vadd.f32 $-9.999999970e-07, v3;
	v3 =	vld [tilespmem:$0xD0];
	[tilespmem:$0x50] =	vst v25  }
0x1f: {  	[tilespmem:$0x60] =	vst v26  }
0x20: {  	v29 =	vadd.f32 $-9.999999970e-07, v4;
	v4 =	vld [tilespmem:$0xE0];
	[tilespmem:$0x70] =	vst v27  }
0x21: {  	[tilespmem:$0x80] =	vst v28;
	v53 =	vadd.f32 $-9.999999970e-07, v0;
	v0 =	vld [tilespmem:$0xF0]  }
0x22: {  	[tilespmem:$0x90] =	vst v29;
	v54 =	vadd.f32 $-9.999999970e-07, v1;
	v1 =	vld [tilespmem:$0x100]  }
0x23: {  	v63 =	vadd.f32 $-9.999999970e-07, v2;
	v61 =	vadd.f32 $-9.999999970e-07, v3;
	v3 =	vld [tilespmem:$0x120];
	[tilespmem:$0xA0] =	vst v53  }
0x24: {  	v2 =	vld [tilespmem:$0x110];
	[tilespmem:$0xB0] =	vst v54  }
0x25: {  	v62 =	vadd.f32 $-9.999999970e-07, v4;
	[tilespmem:$0xC0] =	vst v63  }
0x26: {  	v4 =	vld [tilespmem:$0x130];
	[tilespmem:$0xD0] =	vst v61;
	v57 =	vadd.f32 $-9.999999970e-07, v0  }
0x27: {  	[tilespmem:$0xE0] =	vst v62;
	v0 =	vld [tilespmem:$0x140];
	v44 =	vadd.f32 $-9.999999970e-07, v1  }
0x28: {  	v7 =	vadd.f32 $-9.999999970e-07, v3;
	[tilespmem:$0xF0] =	vst v57  }
0x29: {  	v1 =	vld [tilespmem:$0x150];
	v33 =	vadd.f32 $-9.999999970e-07, v2;
	[tilespmem:$0x100] =	vst v44  }
0x2a: {  	v2 =	vld [tilespmem:$0x160];
	[tilespmem:$0x1FD20] =	vst v7  }
0x2b: {  	v3 =	vld [tilespmem:$0x170];
	v60 =	vadd.f32 $-9.999999970e-07, v4;
	[tilespmem:$0x110] =	vst v33  }
0x2c: {  	v4 =	vld [tilespmem:$0x180];
	[tilespmem:$0x120] =	vst v7;
	v23 =	vadd.f32 $-9.999999970e-07, v0  }
0x2d: {  	[tilespmem:$0x130] =	vst v60;
	v0 =	vld [tilespmem:$0x190]  }
0x2e: {  	v52 =	vadd.f32 $-9.999999970e-07, v1;
	v1 =	vld [tilespmem:$0x1A0];
	[tilespmem:$0x140] =	vst v23  }
0x2f: {  	v50 =	vadd.f32 $-9.999999970e-07, v2;
	v2 =	vld [tilespmem:$0x1B0];
	[tilespmem:$0x1FD70] =	vst v23  }
0x30: {  	v58 =	vadd.f32 $-9.999999970e-07, v3;
	v3 =	vld [tilespmem:$0x1C0];
	[tilespmem:$0x150] =	vst v52  }
0x31: {  	v51 =	vadd.f32 $-9.999999970e-07, v4;
	v4 =	vld [tilespmem:$0x1D0];
	[tilespmem:$0x160] =	vst v50  }
0x32: {  	[tilespmem:$0x170] =	vst v58;
	v49 =	vadd.f32 $-9.999999970e-07, v0;
	v0 =	vld [tilespmem:$0x1E0]  }
0x33: {  	[tilespmem:$0x180] =	vst v51;
	v47 =	vadd.f32 $-9.999999970e-07, v1;
	v1 =	vld [tilespmem:$0x1F0]  }
0x34: {  	v59 =	vadd.f32 $-9.999999970e-07, v2;
	[tilespmem:$0x190] =	vst v49  }
0x35: {  	v46 =	vadd.f32 $-9.999999970e-07, v3;
	[tilespmem:$0x1A0] =	vst v47  }
0x36: {  	v55 =	vadd.f32 $-9.999999970e-07, v4;
	[tilespmem:$0x1B0] =	vst v59  }
0x37: {  	[tilespmem:$0x1C0] =	vst v46;
	v56 =	vadd.f32 $-9.999999970e-07, v0  }
0x38: {  	[tilespmem:$0x1D0] =	vst v55;
	v45 =	vadd.f32 $-9.999999970e-07, v1  }
0x39: {  	[tilespmem:$0x1E0] =	vst v56  }
0x3a: {  	[tilespmem:$0x1F0] =	vst v45  }
0x3b: {  	[tilespmem:s8], [sflag:$0x1] =	stream.linear.gather [hbm4b:s4+s2], $0x5000, $0x38;
	[tilespmem:$0xA280] =	vst v63  }
0x3c: {  	_ =	swait.ge [sflag:s9], $0x5000  }
0x3d: {  	s13 =	sand.u32 $0x7000, s2;
	s14 =	sand.u32 $0x380, s2;
	[sflag:s9] =	ssyncset.done $0x0  }
0x3e: {  	s14 =	sor.u32 s14, s13;
	[sflag:s9] =	ssyncadd.s32 $0xFFFFB000  }
0x3f: {  	v0 =	vld [tilespmem:s14+$0xE70]  }
0x40: {  	v1 =	vld [tilespmem:s14+$0x620]  }
0x41: {  	v2 =	vld [tilespmem:s14+$0xE60]  }
0x42: {  	v3 =	vld [tilespmem:s14+$0xE50]  }
0x43: {  	v5 =	vld [tilespmem:s14+$0x600]  }
0x44: {  	v9 =	vld [tilespmem:s14+$0x260]  }
0x45: {  	v6 =	vld [tilespmem:s14+$0x200]  }
0x46: {  	v7 =	vld [tilespmem:s14+$0x240]  }
0x47: {  	v8 =	vld [tilespmem:s14+$0x220]  }
0x48: {  	v10 =	vld [tilespmem:s14+$0x210]  }
0x49: {  	v13 =	vld [tilespmem:s14+$0x630]  }
0x4a: {  	v14 =	vld [tilespmem:s14+$0x640]  }
0x4b: {  	v11 =	vld [tilespmem:s14+$0x250]  }
0x4c: {  	v15 =	vld [tilespmem:s14+$0x650]  }
0x4d: {  	v12 =	vld [tilespmem:s14+$0x230]  }
0x4e: {  	v16 =	vld [tilespmem:s14+$0x660]  }
0x4f: {  	v17 =	vld [tilespmem:s14+$0x670]  }
0x50: {  	v18 =	vld [tilespmem:s14+$0xA30]  }
0x51: {  	[tilespmem:$0x1FD30] =	vst v2;
	v2 =	vld [tilespmem:s14+$0x270]  }
0x52: {  	v4 =	vld [tilespmem:s14+$0xA10];
	v6 =	vsub.f32 v6, v34;
	v10 =	vsub.f32 v10, v35  }
0x53: {  	v20 =	vld [tilespmem:s14+$0x610]  }
0x54: {  	v21 =	vld [tilespmem:s14+$0xA40];
	v8 =	vsub.f32 v8, v39;
	v6 =	vmul.f32 v6, v6;
	v10 =	vmul.f32 v10, v10  }
0x55: {  	s26 =	simm.s32 $0x200;
	s15 =	simm.s32 $0x80;
	v22 =	vld [tilespmem:s14+$0xA00];
	v12 =	vsub.f32 v12, v40;
	v9 =	vsub.f32 v9, v26  }
0x56: {  	s13 =	sand.u32 $0x7000, s26;
	s15 =	sand.u32 $0x380, s15;
	v32 =	vmovc v26;
	v48 =	vld [tilespmem:s14+$0xA70];
	v6 =	vadd.f32 v10, v6;
	v10 =	vmul.f32 v8, v8;
	v26 =	vsub.f32 v2, v27  }
0x57: {  	s13 =	sor.u32 s15, s13;
	v24 =	vld [tilespmem:s14+$0xA60];
	v2 =	vsub.f32 v0, v45;
	v0 =	vsub.f32 v5, v28  }
0x58: {  	v31 =	vld [tilespmem:s13+$0x240];
	v7 =	vsub.f32 v7, v41;
	v12 =	vmul.f32 v12, v12;
	v6 =	vadd.f32 v10, v6  }
0x59: {  	v11 =	vsub.f32 v11, v25;
	v5 =	vsub.f32 v3, v55;
	v3 =	vmul.f32 v0, v0;
	v0 =	vld [tilespmem:s13+$0xE70]  }
0x5a: {  	v42 =	vmovc v29;
	v20 =	vsub.f32 v20, v29;
	v29 =	vld [tilespmem:s13+$0x220];
	v10 =	vmul.f32 v7, v7;
	v12 =	vadd.f32 v12, v6  }
0x5b: {  	v36 =	vmov v25;
	v25 =	vmul.f32 v11, v11;
	v11 =	vld [tilespmem:s14+$0xE20]  }
0x5c: {  	v8 =	vld [tilespmem:s14+$0xA50];
	v10 =	vadd.f32 v10, v12  }
0x5d: {  	v43 =	vmov v27;
	v27 =	vld [tilespmem:s13+$0x200]  }
0x5e: {  	v9 =	vmul.f32 v9, v9;
	v25 =	vadd.f32 v25, v10;
	[tilespmem:$0x1FDB0] =	vst v0;
	v0 =	vld [tilespmem:s13+$0xE60]  }
0x5f: {  	v38 =	vmov v28;
	v28 =	vld [tilespmem:s14+$0xA20]  }
0x60: {  	v26 =	vmul.f32 v26, v26;
	v9 =	vadd.f32 v9, v25;
	v25 =	vld [tilespmem:s13+$0x210]  }
0x61: {  	v7 =	vld [tilespmem:s14+$0xE00]  }
0x62: {  	v1 =	vsub.f32 v1, v53;
	v6 =	vld [tilespmem:s14+$0xE30];
	v9 =	vadd.f32 v26, v9  }
0x63: {  	v13 =	vsub.f32 v13, v54;
	v14 =	vsub.f32 v14, v63;
	[tilespmem:$0x1FDE0] =	vst v0;
	v0 =	vld [tilespmem:s13+$0xE50]  }
0x64: {  	v15 =	vsub.f32 v15, v61;
	v20 =	vmul.f32 v20, v20;
	v3 =	vadd.f32 v3, v9;
	v9 =	vld [tilespmem:s13+$0x230]  }
0x65: {  	v12 =	vld [tilespmem:s14+$0xE10];
	v27 =	vsub.f32 v27, v34;
	v25 =	vsub.f32 v25, v35  }
0x66: {  	v16 =	vsub.f32 v16, v62;
	v30 =	vmul.f32 v1, v1;
	v10 =	vld [tilespmem:s14+$0xE40];
	v3 =	vadd.f32 v20, v3  }
0x67: {  	v27 =	vmul.f32 v27, v27;
	v26 =	vld [tilespmem:s13+$0x620];
	v20 =	vsub.f32 v29, v39;
	v25 =	vmul.f32 v25, v25  }
0x68: {  	v19 =	vsub.f32 v4, v33;
	v13 =	vmul.f32 v13, v13;
	v29 =	vld [tilespmem:s13+$0x250];
	v30 =	vadd.f32 v30, v3;
	[tilespmem:$0x1FDD0] =	vst v0  }
0x69: {  	v20 =	vmul.f32 v20, v20;
	v0 =	vmovc v33;
	v33 =	vld [tilespmem:$0x1FD20];
	v9 =	vsub.f32 v9, v40;
	v25 =	vadd.f32 v25, v27  }
0x6a: {  	v17 =	vsub.f32 v17, v57;
	v14 =	vmul.f32 v14, v14;
	v27 =	vld [tilespmem:s13+$0x600];
	v13 =	vadd.f32 v13, v30  }
0x6b: {  	v31 =	vsub.f32 v31, v41;
	v30 =	vld [tilespmem:s13+$0x260];
	v9 =	vmul.f32 v9, v9;
	v20 =	vadd.f32 v20, v25  }
0x6c: {  	v18 =	vsub.f32 v18, v60;
	v15 =	vmul.f32 v15, v15;
	v25 =	vld [tilespmem:s13+$0x270];
	v13 =	vadd.f32 v14, v13  }
0x6d: {  	v31 =	vmul.f32 v31, v31;
	v29 =	vsub.f32 v29, v36;
	v14 =	vld [tilespmem:s13+$0x630];
	v9 =	vadd.f32 v9, v20  }
0x6e: {  	v16 =	vmul.f32 v16, v16;
	v20 =	vsub.f32 v21, v23;
	v21 =	vld [tilespmem:s13+$0x640];
	v13 =	vadd.f32 v15, v13  }
0x6f: {  	s28 =	simm.s32 $0x400;
	s29 =	simm.s32 $0x100;
	v17 =	vmul.f32 v17, v17;
	v23 =	vld [tilespmem:s13+$0x670];
	v15 =	vsub.f32 v22, v44;
	v9 =	vadd.f32 v31, v9  }
0x70: {  	s15 =	sand.u32 $0x380, s29;
	s14 =	sand.u32 $0x7000, s28;
	v29 =	vmul.f32 v29, v29;
	v22 =	vld [tilespmem:s13+$0x650];
	v30 =	vsub.f32 v30, v32;
	v13 =	vadd.f32 v16, v13  }
0x71: {  	v24 =	vsub.f32 v24, v50;
	s14 =	sor.u32 s15, s14;
	v31 =	vld [tilespmem:s13+$0x610];
	v16 =	vsub.f32 v25, v43;
	v15 =	vmul.f32 v15, v15  }
0x72: {  	v25 =	vld [tilespmem:s14+$0x200];
	v9 =	vadd.f32 v29, v9;
	v29 =	vmul.f32 v30, v30;
	v13 =	vadd.f32 v17, v13  }
0x73: {  	v19 =	vmul.f32 v19, v19;
	v26 =	vsub.f32 v26, v53;
	v28 =	vsub.f32 v28, v33;
	v17 =	vld [tilespmem:s14+$0x210]  }
0x74: {  	[tilespmem:$0x1FFA0] =	vst v32;
	v30 =	vld [tilespmem:s13+$0x660];
	v16 =	vmul.f32 v16, v16;
	v9 =	vadd.f32 v29, v9;
	v13 =	vadd.f32 v15, v13  }
0x75: {  	[tilespmem:$0x1FED0] =	vst v38;
	v4 =	vmovc v32;
	v1 =	vmov v60;
	v27 =	vsub.f32 v27, v38;
	v29 =	vld [tilespmem:s14+$0x220];
	v15 =	vsub.f32 v8, v52  }
0x76: {  	v60 =	vmovc v44;
	v28 =	vmul.f32 v28, v28;
	v9 =	vadd.f32 v16, v9;
	v16 =	vld [tilespmem:s14+$0x230];
	v13 =	vadd.f32 v19, v13  }
0x77: {  	v44 =	vmovc v52;
	v27 =	vmul.f32 v27, v27;
	v31 =	vsub.f32 v31, v42;
	v52 =	vld [tilespmem:s13+$0xA40];
	v25 =	vsub.f32 v25, v34  }
0x78: {  	v18 =	vmul.f32 v18, v18;
	v32 =	vmovc v38;
	v17 =	vsub.f32 v17, v35;
	v13 =	vadd.f32 v28, v13;
	v28 =	vld [tilespmem:s14+$0x240]  }
0x79: {  	v38 =	vmovc v54;
	v54 =	vsub.f32 v14, v54;
	v8 =	vld [tilespmem:s13+$0xE20];
	v31 =	vmul.f32 v31, v31;
	v9 =	vadd.f32 v27, v9  }
0x7a: {  	v19 =	vld [tilespmem:s13+$0xA30];
	v25 =	vmul.f32 v25, v25;
	v29 =	vsub.f32 v29, v39;
	v17 =	vmul.f32 v17, v17  }
0x7b: {  	v26 =	vmul.f32 v26, v26;
	v27 =	vld [tilespmem:s13+$0xA10];
	v31 =	vadd.f32 v31, v9;
	v16 =	vsub.f32 v16, v40  }
0x7c: {  	v20 =	vmul.f32 v20, v20;
	v13 =	vadd.f32 v18, v13;
	v18 =	vld [tilespmem:s13+$0xA00];
	v9 =	vadd.f32 v17, v25  }
0x7d: {  	v17 =	vld [tilespmem:s14+$0x250];
	v25 =	vmul.f32 v29, v29;
	v29 =	vsub.f32 v7, v51;
	v28 =	vsub.f32 v28, v41  }
0x7e: {  	v14 =	vmul.f32 v15, v15;
	v26 =	vadd.f32 v26, v31;
	v20 =	vadd.f32 v20, v13;
	v13 =	vld [tilespmem:s13+$0xA60]  }
0x7f: {  	v7 =	vadd.f32 v25, v9;
	v9 =	vld [tilespmem:s13+$0xA70];
	v15 =	vmul.f32 v28, v28;
	v28 =	vmul.f32 v54, v54  }
0x80: {  	v31 =	vsub.f32 v48, v58;
	v16 =	vmul.f32 v16, v16;
	v25 =	vld [tilespmem:s13+$0xA50]  }
0x81: {  	v24 =	vmul.f32 v24, v24;
	v3 =	vmovc v36;
	v20 =	vadd.f32 v14, v20;
	v26 =	vadd.f32 v28, v26;
	v28 =	vld [tilespmem:s14+$0x260]  }
0x82: {  	v14 =	vld [tilespmem:s13+$0xE00];
	v16 =	vadd.f32 v16, v7;
	v17 =	vsub.f32 v17, v3  }
0x83: {  	v11 =	vsub.f32 v11, v47;
	v7 =	vld [tilespmem:s13+$0xE30];
	v20 =	vadd.f32 v24, v20;
	v24 =	vmul.f32 v31, v31  }
0x84: {  	v21 =	vsub.f32 v21, v63;
	v16 =	vadd.f32 v15, v16;
	v15 =	vld [tilespmem:s13+$0xE10];
	v17 =	vmul.f32 v17, v17  }
0x85: {  	v22 =	vsub.f32 v22, v61;
	v20 =	vadd.f32 v24, v20;
	v24 =	vld [tilespmem:s14+$0x270]  }
0x86: {  	v16 =	vadd.f32 v17, v16;
	v17 =	vmul.f32 v21, v21;
	v28 =	vsub.f32 v28, v4;
	v4 =	vld [tilespmem:$0x1FD30]  }
0x87: {  	v12 =	vsub.f32 v12, v49;
	v22 =	vmul.f32 v22, v22;
	v27 =	vsub.f32 v27, v0;
	v21 =	vld [tilespmem:s13+$0xE40]  }
0x88: {  	v18 =	vsub.f32 v18, v60;
	[tilespmem:$0x1FE20] =	vst v7;
	v7 =	vmovc v60;
	v60 =	vmov v0;
	v0 =	vld [tilespmem:$0x1FDB0];
	v17 =	vadd.f32 v17, v26  }
0x89: {  	s30 =	simm.s32 $0x600;
	s31 =	simm.s32 $0x180;
	v6 =	vsub.f32 v6, v59;
	v30 =	vsub.f32 v30, v62;
	v29 =	vmul.f32 v29, v29;
	v26 =	vld [tilespmem:s13+$0xA20]  }
0x8a: {  	[tilespmem:$0x1FEC0] =	vst v43;
	s15 =	sand.u32 $0x380, s31;
	v12 =	vmul.f32 v12, v12;
	s13 =	sand.u32 $0x7000, s30;
	v24 =	vsub.f32 v24, v43;
	v43 =	vld [tilespmem:s14+$0xE00];
	v17 =	vadd.f32 v22, v17  }
0x8b: {  	s13 =	sor.u32 s15, s13;
	v22 =	vld [tilespmem:s14+$0xE70];
	v28 =	vmul.f32 v28, v28;
	v31 =	vsub.f32 v4, v56;
	v4 =	vadd.f32 v29, v20  }
0x8c: {  	v48 =	vsub.f32 v14, v51;
	v14 =	vsub.f32 v15, v49;
	v15 =	vld [tilespmem:s13+$0xE70]  }
0x8d: {  	v11 =	vmul.f32 v11, v11;
	v16 =	vadd.f32 v28, v16;
	v28 =	vld [tilespmem:s14+$0xE50];
	v12 =	vadd.f32 v12, v4  }
0x8e: {  	v6 =	vmul.f32 v6, v6;
	v24 =	vmul.f32 v24, v24;
	v20 =	vld [tilespmem:s14+$0x620]  }
0x8f: {  	v23 =	vsub.f32 v23, v57;
	v30 =	vmul.f32 v30, v30;
	v29 =	vld [tilespmem:s14+$0x600];
	v11 =	vadd.f32 v11, v12  }
0x90: {  	v0 =	vsub.f32 v0, v45;
	v16 =	vadd.f32 v24, v16;
	v24 =	vld [tilespmem:s13+$0x210]  }
0x91: {  	v23 =	vmul.f32 v23, v23;
	v17 =	vadd.f32 v30, v17;
	v6 =	vadd.f32 v6, v11;
	v11 =	vld [tilespmem:s13+$0x200]  }
0x92: {  	v3 =	vmov v58;
	v58 =	vmov v33;
	v26 =	vsub.f32 v26, v33;
	v33 =	vld [tilespmem:$0x1FD70]  }
0x93: {  	v18 =	vmul.f32 v18, v18;
	[tilespmem:$0x1FDC0] =	vst v0;
	v0 =	vld [tilespmem:$0x1FDD0];
	v17 =	vadd.f32 v23, v17  }
0x94: {  	v10 =	vsub.f32 v10, v46;
	v19 =	vsub.f32 v19, v1;
	v23 =	vld [tilespmem:s14+$0x640]  }
0x95: {  	v27 =	vmul.f32 v27, v27;
	v30 =	vmul.f32 v31, v31;
	v31 =	vld [tilespmem:s13+$0x230];
	v17 =	vadd.f32 v18, v17  }
0x96: {  	v10 =	vmul.f32 v10, v10;
	v18 =	vld [tilespmem:s13+$0x220];
	v24 =	vsub.f32 v24, v35;
	v11 =	vsub.f32 v11, v34  }
0x97: {  	v25 =	vsub.f32 v25, v44;
	v4 =	vld [tilespmem:s14+$0xE60];
	v26 =	vmul.f32 v26, v26;
	v17 =	vadd.f32 v27, v17  }
0x98: {  	v12 =	vld [tilespmem:s14+$0x630];
	v29 =	vsub.f32 v29, v32;
	v24 =	vmul.f32 v24, v24;
	v11 =	vmul.f32 v11, v11  }
0x99: {  	[tilespmem:$0x1FD50] =	vst v35;
	v5 =	vmul.f32 v5, v5;
	v27 =	vld [tilespmem:s14+$0x670];
	v17 =	vadd.f32 v26, v17;
	v26 =	vsub.f32 v52, v33  }
0x9a: {  	[tilespmem:$0x1FD60] =	vst v39;
	v19 =	vmul.f32 v19, v19;
	v6 =	vadd.f32 v10, v6;
	v11 =	vadd.f32 v24, v11;
	v24 =	vld [tilespmem:s13+$0x240]  }
0x9b: {  	v2 =	vmul.f32 v2, v2;
	v35 =	vmovc v44;
	v44 =	vld [tilespmem:s14+$0xA50];
	v31 =	vsub.f32 v31, v40;
	v18 =	vsub.f32 v18, v39  }
0x9c: {  	[tilespmem:$0x1FE80] =	vst v4;
	v10 =	vld [tilespmem:s14+$0x610];
	v17 =	vadd.f32 v19, v17;
	v19 =	vmul.f32 v26, v26;
	v5 =	vadd.f32 v5, v6  }
0x9d: {  	v4 =	vmovc v1;
	v52 =	vld [tilespmem:$0x1FFD0];
	v1 =	vsub.f32 v23, v63;
	v39 =	vsub.f32 v0, v55;
	v18 =	vmul.f32 v18, v18  }
0x9e: {  	v29 =	vmul.f32 v29, v29;
	v23 =	vld [tilespmem:s13+$0x600];
	v17 =	vadd.f32 v19, v17;
	v5 =	vadd.f32 v30, v5  }
0x9f: {  	v0 =	vld [tilespmem:$0x1FDE0];
	v11 =	vadd.f32 v18, v11;
	v19 =	vsub.f32 v24, v41;
	v24 =	vmul.f32 v31, v31  }
0xa0: {  	v16 =	vadd.f32 v29, v16;
	v29 =	vld [tilespmem:s14+$0x650];
	v2 =	vadd.f32 v2, v5  }
0xa1: {  	v10 =	vsub.f32 v10, v42;
	v11 =	vadd.f32 v24, v11;
	v24 =	vld [tilespmem:$0x1FFE0]  }
0xa2: {  	v6 =	vld [tilespmem:s14+$0x660];
	v32 =	vperm.xlane v2, v52  }
0xa3: {  	[tilespmem:$0x1FD40] =	vst v34;
	v20 =	vsub.f32 v20, v53;
	v34 =	vld [tilespmem:s14+$0xA10];
	v10 =	vmul.f32 v10, v10  }
0xa4: {  	v54 =	vmov v53;
	v53 =	vsub.f32 v12, v38;
	v30 =	vld [tilespmem:s14+$0xA30];
	v2 =	vadd.f32 v2, v32  }
0xa5: {  	[tilespmem:$0x1FF60] =	vst v42;
	v12 =	vmul.f32 v20, v20;
	v20 =	vmul.f32 v25, v25;
	v42 =	vld [tilespmem:s13+$0xE60];
	v10 =	vadd.f32 v10, v16  }
0xa6: {  	v5 =	vld [tilespmem:s14+$0xE30];
	v24 =	vperm.xlane v2, v24  }
0xa7: {  	[tilespmem:$0x1FD80] =	vst v40;
	v52 =	vld [tilespmem:s14+$0xA70];
	v10 =	vadd.f32 v12, v10;
	v12 =	vadd.f32 v20, v17;
	v17 =	vmul.f32 v53, v53  }
0xa8: {  	[tilespmem:$0x1FD90] =	vst v41;
	v18 =	vld [tilespmem:s14+$0xA00];
	v2 =	vadd.f32 v2, v24  }
0xa9: {  	[tilespmem:$0x1FE30] =	vst v51;
	v24 =	vadd.f32 v17, v10;
	v17 =	vsub.f32 v21, v46;
	v21 =	vld [tilespmem:s13+$0xE50]  }
0xaa: {  	[tilespmem:$0x1FE90] =	vst v45;
	v51 =	vsub.f32 v43, v51;
	v20 =	vld [tilespmem:s14+$0xE10];
	v53 =	vsub.f32 v13, v50  }
0xab: {  	[tilespmem:$0x1FEA0] =	vst v55;
	v13 =	vld [tilespmem:s14+$0xA20];
	v41 =	vsub.f32 v0, v56;
	v0 =	vsub.f32 v22, v45  }
0xac: {  	v43 =	vsub.f32 v15, v45;
	[tilespmem:$0x1FDA0] =	vst v5;
	v5 =	vmov v57;
	v57 =	vsub.f32 v27, v57;
	v27 =	vld [tilespmem:s13+$0x270]  }
0xad: {  	v40 =	vsub.f32 v28, v55;
	[tilespmem:$0x1FDF0] =	vst v0;
	v0 =	vsub.f32 v9, v3;
	v10 =	vld [tilespmem:s14+$0xE40]  }
0xae: {  	[tilespmem:$0x1FEB0] =	vst v3;
	v45 =	vsub.f32 v21, v55;
	v55 =	vsub.f32 v52, v3;
	v3 =	vld [tilespmem:$0x1FEC0]  }
0xaf: {  	v31 =	vld [tilespmem:s14+$0xA60];
	v19 =	vmul.f32 v19, v19  }
0xb0: {  	v28 =	vsub.f32 v30, v4;
	v32 =	vmov v4;
	v4 =	vld [tilespmem:$0x1FE80]  }
0xb1: {  	[tilespmem:$0x1FE60] =	vst v46;
	v8 =	vsub.f32 v8, v47;
	v25 =	vadd.f32 v19, v11;
	v11 =	vld [tilespmem:s14+$0xE20]  }
0xb2: {  	[tilespmem:$0x1FF80] =	vst v0;
	v0 =	vld [tilespmem:s13+$0x260];
	v46 =	vsub.f32 v10, v46  }
0xb3: {  	[tilespmem:$0x1FF10] =	vst v36;
	v10 =	vsub.f32 v13, v58;
	v58 =	vmul.f32 v8, v8;
	v8 =	vsub.f32 v27, v3;
	v3 =	vld [tilespmem:$0x1FED0]  }
0xb4: {  	[tilespmem:$0x1FE00] =	vst v50;
	v26 =	vmovc v38;
	v38 =	vsub.f32 v34, v60;
	v9 =	vmov v60;
	v60 =	vmul.f32 v1, v1;
	v1 =	vld [tilespmem:$0x1FE20]  }
0xb5: {  	[tilespmem:$0x1FE40] =	vst v49;
	v6 =	vsub.f32 v6, v62;
	v22 =	vsub.f32 v29, v61;
	v19 =	vld [tilespmem:s13+$0x620]  }
0xb6: {  	[tilespmem:$0x1FE50] =	vst v47;
	v29 =	vsub.f32 v31, v50;
	v31 =	vld [tilespmem:s13+$0x250];
	v50 =	vsub.f32 v20, v49  }
0xb7: {  	[tilespmem:$0x1FFB0] =	vst v0;
	v0 =	vsub.f32 v18, v7;
	v18 =	vld [tilespmem:s13+$0x630];
	v49 =	vsub.f32 v11, v47  }
0xb8: {  	[tilespmem:$0x1FE70] =	vst v56;
	v47 =	vsub.f32 v4, v56;
	v56 =	vmul.f32 v14, v14;
	v14 =	vsub.f32 v23, v3;
	v3 =	vld [tilespmem:$0x1FF10]  }
0xb9: {  	v36 =	vmov v61;
	v61 =	vmul.f32 v6, v6;
	v6 =	vld [tilespmem:s13+$0x670]  }
0xba: {  	v30 =	vld [tilespmem:s13+$0x640]  }
0xbb: {  	v34 =	vmov v7;
	v7 =	vsub.f32 v1, v59;
	v1 =	vmul.f32 v22, v22;
	v22 =	vld [tilespmem:s13+$0x610]  }
0xbc: {  	[tilespmem:$0x1FEF0] =	vst v26;
	v18 =	vsub.f32 v18, v26;
	v26 =	vld [tilespmem:s13+$0xA40]  }
0xbd: {  	[tilespmem:$0x1FEE0] =	vst v54;
	v27 =	vsub.f32 v19, v54;
	v54 =	vmul.f32 v7, v7;
	v7 =	vsub.f32 v31, v3;
	v3 =	vld [tilespmem:$0x1FF60]  }
0xbe: {  	[tilespmem:$0x1FF40] =	vst v5;
	v21 =	vsub.f32 v6, v5;
	v5 =	vld [tilespmem:$0x1FF80]  }
0xbf: {  	v11 =	vld [tilespmem:s13+$0x650]  }
0xc0: {  	[tilespmem:$0x1FE10] =	vst v59;
	v16 =	vld [tilespmem:s14+$0xA40]  }
0xc1: {  	[tilespmem:$0x1FF00] =	vst v63;
	v20 =	vsub.f32 v30, v63;
	v63 =	vmul.f32 v28, v28;
	v28 =	vld [tilespmem:s13+$0xA00];
	v59 =	vmul.f32 v29, v29  }
0xc2: {  	v13 =	vld [tilespmem:s13+$0xA30];
	v15 =	vmul.f32 v8, v8;
	v29 =	vmul.f32 v7, v7;
	v7 =	vsub.f32 v22, v3  }
0xc3: {  	v8 =	vmul.f32 v10, v10;
	v10 =	vsub.f32 v26, v33;
	v26 =	vmul.f32 v5, v5;
	v5 =	vld [tilespmem:$0x1FFA0]  }
0xc4: {  	v19 =	vsub.f32 v11, v36;
	v11 =	vmul.f32 v7, v7;
	v7 =	vld [tilespmem:$0x1FFB0]  }
0xc5: {  	v4 =	vld [tilespmem:s13+$0x660]  }
0xc6: {  	v23 =	vld [tilespmem:s13+$0xA10]  }
0xc7: {  	v30 =	vld [tilespmem:s13+$0xA60]  }
0xc8: {  	v16 =	vsub.f32 v16, v33;
	v3 =	vld [tilespmem:s13+$0xA50]  }
0xc9: {  	[tilespmem:$0x1FF50] =	vst v32;
	v6 =	vsub.f32 v13, v32;
	v32 =	vsub.f32 v7, v5;
	v7 =	vmul.f32 v18, v18;
	v18 =	vld [tilespmem:$0x1FFF0]  }
0xca: {  	[tilespmem:$0x1FF30] =	vst v62;
	v53 =	vmul.f32 v53, v53;
	v52 =	vmul.f32 v17, v17;
	v13 =	vld [tilespmem:s13+$0xA70]  }
0xcb: {  	[tilespmem:$0x1FF20] =	vst v36;
	v17 =	vsub.f32 v4, v62;
	v62 =	vmul.f32 v16, v16;
	v4 =	vsub.f32 v23, v9;
	v23 =	vld [tilespmem:s13+$0xE30]  }
0xcc: {  	[tilespmem:$0x1FFC0] =	vst v35;
	v44 =	vsub.f32 v44, v35;
	v16 =	vmul.f32 v14, v14;
	v14 =	vmul.f32 v38, v38;
	v31 =	vld [tilespmem:s13+$0xE00]  }
0xcd: {  	[tilespmem:$0x1FF70] =	vst v9;
	v9 =	vmul.f32 v27, v27;
	v27 =	vld [tilespmem:s13+$0xE20];
	v22 =	vsub.f32 v28, v34;
	v3 =	vsub.f32 v3, v35  }
0xce: {  	s16 =	simm.s32 $0x800;
	[tilespmem:$0x1FF90] =	vst v34;
	s14 =	simm.s32 $0x200;
	v28 =	vld [tilespmem:s13+$0xE10];
	v5 =	vmul.f32 v44, v44;
	v44 =	vimm.f32 $0.0e+00;
	v18 =	vperm.xlane v2, v18  }
.LBB2_2:
0xcf: {  	v38 =	vld [tilespmem:$0x1FE00]  }
0xd0: {  	v33 =	vld [tilespmem:s13+$0xA20]  }
0xd1: {  	v34 =	vld [tilespmem:$0x1FDA0]  }
0xd2: {  	v2 =	vadd.f32 v2, v18;
	v18 =	vld [tilespmem:$0x1FE50]  }
0xd3: {  	v25 =	vadd.f32 v29, v25;
	v29 =	vmul.f32 v32, v32;
	v32 =	vld [tilespmem:s13+$0xE40]  }
0xd4: {  	s17 =	sand.u32 $0x7000, s16;
	s18 =	sand.u32 $0x380, s14;
	v30 =	vsub.f32 v30, v38;
	v38 =	vld [tilespmem:$0x1FE30]  }
0xd5: {  	s13 =	sor.u32 s18, s17;
	v24 =	vadd.f32 v60, v24;
	v60 =	vmul.f32 v20, v20;
	v20 =	vld [tilespmem:$0x1FE10]  }
0xd6: {  	v12 =	vadd.f32 v53, v12;
	v35 =	vld [tilespmem:s13+$0x620]  }
0xd7: {  	v27 =	vsub.f32 v27, v18;
	v18 =	vadd.f32 v1, v24;
	v1 =	vld [tilespmem:$0x1FE60]  }
0xd8: {  	v12 =	vadd.f32 v26, v12;
	v26 =	vperm.xlane v2, v37;
	v36 =	vmov v23;
	v23 =	vld [tilespmem:s13+$0xE70]  }
0xd9: {  	v24 =	vmul.f32 v48, v48;
	v31 =	vsub.f32 v31, v38;
	v38 =	vld [tilespmem:$0x1FE90]  }
0xda: {  	v2 =	vadd.f32 v2, v26;
	[tilespmem:$0x1FDA0] =	vst v36;
	v36 =	vld [tilespmem:$0x1FE40]  }
0xdb: {  	v20 =	vsub.f32 v34, v20;
	v34 =	vmul.f32 v57, v57;
	v57 =	vmovc v21;
	v21 =	vld [tilespmem:s13+$0xE60];
	v12 =	vadd.f32 v24, v12  }
0xdc: {  	v53 =	vmovc v59;
	v2 =	vmul.f32 $-1.000000010e-01, v2;
	v59 =	vmul.f32 v30, v30;
	v30 =	vsub.f32 v32, v1;
	v1 =	vld [tilespmem:$0x1FE70]  }
0xdd: {  	v24 =	vld [tilespmem:s13+$0x240];
	v12 =	vadd.f32 v56, v12  }
0xde: {  	v2 =	vmul.f32 $1.442695020e+00, v2;
	v23 =	vsub.f32 v23, v38;
	v38 =	vmovc v37;
	v37 =	vmul.f32 v41, v41;
	v41 =	vmovc v47;
	v47 =	vld [tilespmem:$0x1FEB0]  }
0xdf: {  	v19 =	vmul.f32 v19, v19;
	v17 =	vmul.f32 v17, v17;
	v28 =	vsub.f32 v28, v36;
	v36 =	vld [tilespmem:s13+$0xE50]  }
0xe0: {  	v0 =	vmul.f32 v0, v0;
	(erf) = vpow2.f32 v2;
	v2 =	vld [tilespmem:$0x1FD90];
	v12 =	vadd.f32 v58, v12  }
0xe1: {  	v48 =	vmovc v51;
	v51 =	vmov v31;
	v31 =	vld [tilespmem:s13+$0x600];
	v32 =	vsub.f32 v42, v1;
	v42 =	vadd.f32 v61, v18  }
0xe2: {  	v12 =	vadd.f32 v54, v12;
	v54 =	vmul.f32 v20, v20;
	v20 =	vld [tilespmem:$0x1FD60];
	v61 =	vmovc v17;
	v17 =	vadd.f32 v29, v25  }
0xe3: {  	v26 =	vadd.f32 v34, v42;
	v34 =	vsub.f32 v13, v47;
	v13 =	vld [tilespmem:s13+$0x220]  }
0xe4: {  	v1 =	vmov v19;
	v19 =	vld [tilespmem:s13+$0x270]  }
0xe5: {  	v29 =	vmul.f32 v50, v50;
	v50 =	vmovc v28;
	v28 =	vld [tilespmem:$0x1FEA0];
	v15 =	vadd.f32 v15, v17;
	v17 =	vadd.f32 v0, v26  }
0xe6: {  	v0 =	vmov v22;
	v22 =	vld [tilespmem:$0x1FEC0]  }
0xe7: {  	v14 =	vadd.f32 v14, v17;
	v17 =	vld [tilespmem:$0x1FED0]  }
0xe8: {  	v13 =	vsub.f32 v13, v20;
	v20 =	vld [tilespmem:$0x1FEE0];
	_ =	sdelay $0x1  }
0xe9: {  	v42 =	vmov v21;
	v21 =	vld [tilespmem:$0x1FD20]  }
0xea: {  	v25 =	vld [tilespmem:s13+$0x200];
	v2 =	vsub.f32 v24, v2  }
0xeb: {  	v28 =	vsub.f32 v36, v28;
	v22 =	vsub.f32 v19, v22;
	v19 =	vld [tilespmem:s13+$0x630]  }
0xec: {  	v24 =	vsub.f32 v31, v17;
	v31 =	vsub.f32 v35, v20;
	v20 =	vld [tilespmem:$0x1FEF0]  }
0xed: {  	v56 =	vmov v29;
	v29 =	vld [tilespmem:s13+$0x640];
	v26 =	vmul.f32 v39, v39;
	v39 =	vmov v40  }
0xee: {  	v40 =	vmovc v45;
	v47 =	vmovc v32;
	v45 =	vmov v28;
	v28 =	vld [tilespmem:$0x1FD40];
	v32 =	vsub.f32 v33, v21;
	v21 =	vmul.f32 v49, v49  }
0xef: {  	v8 =	vadd.f32 v8, v14;
	v14 =	vld [tilespmem:$0x1FD80]  }
0xf0: {  	v58 =	vmov v21;
	v21 =	vld [tilespmem:s13+$0x230]  }
0xf1: {  	v33 =	vsub.f32 v19, v20;
	v19 =	vld [tilespmem:$0x1FF00]  }
0xf2: {  	v49 =	vmov v27;
	v27 =	vld [tilespmem:s13+$0x210];
	v17 =	vmul.f32 v46, v46  }
0xf3: {  	v25 =	vsub.f32 v25, v28;
	v28 =	vld [tilespmem:s13+$0x650]  }
0xf4: {  	v12 =	vadd.f32 v52, v12;
	v52 =	vmov v17;
	v17 =	vld [tilespmem:$0x1FD50]  }
0xf5: {  	v14 =	vsub.f32 v21, v14;
	v21 =	vld [tilespmem:$0x1FDC0]  }
0xf6: {  	v20 =	vsub.f32 v29, v19;
	v19 =	vld [tilespmem:$0x1FF20]  }
0xf7: {  	v29 =	vld [tilespmem:$0x1FDF0];
	_ =	sdelay $0x2  }
0xf8: {  	v17 =	vsub.f32 v27, v17  }
0xf9: {  	v46 =	vmov v30;
	v30 =	vmul.f32 v6, v6;
	v6 =	vmul.f32 v25, v25;
	v25 =	vld [tilespmem:s13+$0x660]  }
0xfa: {  	v19 =	vsub.f32 v28, v19;
	v28 =	vmul.f32 v21, v21;
	v21 =	vmovc v29;
	v29 =	vmul.f32 v17, v17;
	v17 =	vld [tilespmem:$0x1FF30];
	_ =	sdelay $0x1  }
0xfb: {  	v15 =	vadd.f32 v16, v15;
	v16 =	vld [tilespmem:s13+$0x250]  }
0xfc: {  	v35 =	vmul.f32 v2, v2;
	v2 =	vld [tilespmem:$0x1FF10]  }
0xfd: {  	v27 =	vld [tilespmem:s13+$0x670]  }
0xfe: {  	v17 =	vsub.f32 v25, v17;
	v25 =	vadd.f32 v11, v15;
	v15 =	vld [tilespmem:$0x1FF40];
	_ =	sdelay $0x3  }
0xff: {  	v12 =	vadd.f32 v26, v12;
	v2 =	vsub.f32 v16, v2;
	v16 =	vld [tilespmem:s13+$0xA30]  }
0x100: {  	[tilespmem:$0x1FDC0] =	vst v21;
	v21 =	vsub.f32 v27, v15;
	v27 =	vadd.f32 v29, v6;
	v6 =	vld [tilespmem:$0x1FF50]  }
0x101: {  	v29 =	vmul.f32 v2, v2;
	v2 =	vadd.f32 v63, v8;
	v8 =	vld [tilespmem:$0x1FFD0]  }
0x102: {  	v12 =	vadd.f32 v37, v12;
	_ =	sdelay $0x1  }
0x103: {  	v12 =	vadd.f32 v28, v12;
	_ =	sdelay $0x1  }
0x104: {  	v6 =	vsub.f32 v16, v6;
	v16 =	vperm.xlane v12, v8  }
0x105: {  	v36 =	vld [tilespmem:s13+$0x610]  }
0x106: {  	v28 =	vadd.f32 v12, v16;
	v12 =	vld [tilespmem:$0x1FF60];
	_ =	sdelay $0x1  }
0x107: {  	v13 =	vmul.f32 v13, v13  }
0x108: {  	v26 =	vld [tilespmem:s13+$0xA10];
	v11 =	vpop (erf)  }
0x109: {  	v14 =	vmul.f32 v14, v14;
	v44 =	vadd.f32 v11, v44;
	v11 =	vadd.f32 v13, v27;
	v27 =	vld [tilespmem:s13+$0xA00]  }
0x10a: {  	v2 =	vadd.f32 v62, v2;
	v8 =	vld [tilespmem:$0x1FF70];
	v12 =	vsub.f32 v36, v12  }
0x10b: {  	v16 =	vmul.f32 v24, v24;
	v24 =	vadd.f32 v14, v11;
	v14 =	vmul.f32 v4, v4;
	v4 =	vld [tilespmem:$0x1FFE0]  }
0x10c: {  	v11 =	vmul.f32 v12, v12;
	v12 =	vadd.f32 v5, v2;
	v5 =	vld [tilespmem:$0x1FF90];
	_ =	sdelay $0x1  }
0x10d: {  	v18 =	vld [tilespmem:s13+$0x260];
	v15 =	vmov v43  }
0x10e: {  	v43 =	vmov v23;
	v23 =	vld [tilespmem:s13+$0xA40];
	[tilespmem:$0x1FDF0] =	vst v15;
	v15 =	vmul.f32 v22, v22;
	v22 =	vsub.f32 v26, v8  }
0x10f: {  	v2 =	vld [tilespmem:$0x1FD70]  }
0x110: {  	v8 =	vmul.f32 v32, v32;
	v32 =	vperm.xlane v28, v4;
	v4 =	vmovc v22;
	v22 =	vsub.f32 v27, v5;
	v5 =	vld [tilespmem:$0x1FFA0];
	_ =	sdelay $0x1  }
0x111: {  	v10 =	vmul.f32 v10, v10;
	_ =	sdelay $0x1  }
0x112: {  	v62 =	vmov v10;
	v10 =	vsub.f32 v23, v2  }
0x113: {  	v2 =	vadd.f32 v28, v32;
	v32 =	vsub.f32 v18, v5;
	v5 =	vmul.f32 v3, v3;
	v3 =	vld [tilespmem:$0x1FFF0];
	_ =	sdelay $0x2  }
0x114: {  	v37 =	vadd.f32 v9, v25;
	v9 =	vmul.f32 v31, v31;
	v31 =	vld [tilespmem:s13+$0xE00]  }
0x115: {  	v36 =	vld [tilespmem:s13+$0xA50]  }
0x116: {  	p0 =	sne.s32 s16, $0x4E00;
	v18 =	vperm.xlane v2, v3;
	v3 =	vld [tilespmem:$0x1FFC0]  }
.Ltmp0:
0x117: {  	v63 =	vmov v30;
	v30 =	vld [tilespmem:s13+$0xA60];
	(pc) =	sbr.rel @p0 .LBB2_2-.Ltmp0, $4  }
0x118: {  	v13 =	vld [tilespmem:s13+$0xA70]  }
0x119: {  	s15 =	smov.u32 s16;
	v23 =	vld [tilespmem:s13+$0xE30]  }
0x11a: {  	s15 =	sadd.s32 $0x200, s16;
	v25 =	vadd.f32 v35, v24;
	v24 =	vadd.f32 v7, v37;
	v37 =	vmov v38;
	v28 =	vld [tilespmem:s13+$0xE10]  }
0x11b: {  	s14 =	sadd.s32 $0x80, s14;
	s16 =	smov.u32 s15;
	v7 =	vmul.f32 v33, v33;
	v26 =	vmul.f32 v55, v55;
	v55 =	vmovc v34;
	v27 =	vld [tilespmem:s13+$0xE20];
	v3 =	vsub.f32 v36, v3  }
0x11c: {  	v25 =	vadd.f32 v29, v25;
	v38 =	vmul.f32 v32, v32;
	_ =	sdelay $0x1  }
0x11d: {  	v25 =	vadd.f32 v38, v25;
	_ =	sdelay $0x1  }
0x11e: {  	v15 =	vadd.f32 v15, v25;
	_ =	sdelay $0x1  }
0x11f: {  	v15 =	vadd.f32 v16, v15;
	_ =	sdelay $0x1  }
0x120: {  	v11 =	vadd.f32 v11, v15;
	_ =	sdelay $0x1  }
0x121: {  	v9 =	vadd.f32 v9, v11  }
0x122: {  	v60 =	vadd.f32 v60, v24  }
0x123: {  	v15 =	vmul.f32 v20, v20;
	v7 =	vadd.f32 v7, v9  }
0x124: {  	v1 =	vadd.f32 v1, v60  }
0x125: {  	v16 =	vmul.f32 v19, v19;
	v7 =	vadd.f32 v15, v7  }
0x126: {  	v1 =	vadd.f32 v61, v1;
	v19 =	vmul.f32 v57, v57  }
0x127: {  	v24 =	vld [tilespmem:s13+$0xA20];
	v20 =	vmul.f32 v17, v17;
	v7 =	vadd.f32 v16, v7  }
0x128: {  	v0 =	vmul.f32 v0, v0;
	v33 =	vld [tilespmem:$0x1FD20];
	v1 =	vadd.f32 v19, v1  }
0x129: {  	v25 =	vmul.f32 v21, v21;
	v7 =	vadd.f32 v20, v7  }
0x12a: {  	v0 =	vadd.f32 v0, v1  }
0x12b: {  	v32 =	vmul.f32 v22, v22;
	v29 =	vadd.f32 v25, v7  }
0x12c: {  	v36 =	vadd.f32 v53, v12;
	v0 =	vadd.f32 v14, v0  }
0x12d: {  	v4 =	vmul.f32 v4, v4;
	v12 =	vld [tilespmem:$0x1FEB0];
	v9 =	vsub.f32 v24, v33;
	v1 =	vadd.f32 v32, v29  }
0x12e: {  	v34 =	vld [tilespmem:$0x1FE00]  }
0x12f: {  	v38 =	vld [tilespmem:$0x1FE30];
	v0 =	vadd.f32 v8, v0;
	v35 =	vmul.f32 v9, v9;
	v1 =	vadd.f32 v4, v1;
	_ =	sdelay $0x1  }
0x130: {  	v53 =	vmul.f32 v6, v6;
	v22 =	vld [tilespmem:$0x1FE10];
	v0 =	vadd.f32 v63, v0;
	v1 =	vadd.f32 v35, v1  }
0x131: {  	v3 =	vmul.f32 v3, v3;
	v6 =	vsub.f32 v13, v12  }
0x132: {  	v61 =	vmul.f32 v10, v10;
	v24 =	vld [tilespmem:$0x1FDA0];
	v0 =	vadd.f32 v62, v0;
	v1 =	vadd.f32 v53, v1  }
0x133: {  	v60 =	vmul.f32 v48, v48;
	v9 =	vsub.f32 v31, v38;
	v7 =	vsub.f32 v30, v34  }
0x134: {  	v13 =	vmul.f32 v55, v55;
	v62 =	vld [tilespmem:$0x1FE40];
	v0 =	vadd.f32 v5, v0;
	v1 =	vadd.f32 v61, v1  }
0x135: {  	v57 =	vadd.f32 v26, v36;
	v21 =	vmul.f32 v9, v9;
	v9 =	vsub.f32 v23, v22  }
0x136: {  	v15 =	vld [tilespmem:$0x1FE50];
	v0 =	vadd.f32 v59, v0;
	v14 =	vmul.f32 v7, v7;
	v1 =	vadd.f32 v3, v1  }
0x137: {  	v17 =	vmul.f32 v6, v6;
	v6 =	vsub.f32 v24, v22;
	v4 =	vadd.f32 v60, v57  }
0x138: {  	v16 =	vmul.f32 v51, v51;
	v0 =	vadd.f32 v13, v0;
	v1 =	vadd.f32 v14, v1  }
0x139: {  	v19 =	vld [tilespmem:$0x1FE60];
	v38 =	vmul.f32 v45, v45;
	v10 =	vsub.f32 v28, v62;
	v4 =	vadd.f32 v56, v4  }
0x13a: {  	v63 =	vld [tilespmem:s13+$0xE40];
	v20 =	vmul.f32 v50, v50;
	v0 =	vadd.f32 v16, v0;
	v1 =	vadd.f32 v17, v1  }
0x13b: {  	v25 =	vmul.f32 v49, v49;
	v7 =	vsub.f32 v27, v15;
	v4 =	vadd.f32 v58, v4  }
0x13c: {  	v26 =	vmul.f32 v10, v10;
	v0 =	vadd.f32 v20, v0;
	v1 =	vadd.f32 v21, v1  }
0x13d: {  	v36 =	vld [tilespmem:$0x1FE70];
	v31 =	vmul.f32 v9, v9;
	v6 =	vmul.f32 v6, v6;
	v4 =	vadd.f32 v54, v4  }
0x13e: {  	v34 =	vld [tilespmem:$0x1FDC0];
	v28 =	vmul.f32 v7, v7;
	v0 =	vadd.f32 v25, v0;
	v1 =	vadd.f32 v26, v1  }
0x13f: {  	v5 =	vsub.f32 v63, v19;
	v27 =	vmul.f32 v39, v39;
	v4 =	vadd.f32 v52, v4  }
0x140: {  	v29 =	vmul.f32 v46, v46;
	v0 =	vadd.f32 v6, v0;
	v1 =	vadd.f32 v28, v1  }
0x141: {  	v30 =	vmul.f32 v41, v41;
	v32 =	vmul.f32 v40, v40;
	v39 =	vld [tilespmem:$0x1FDF0];
	v4 =	vadd.f32 v27, v4  }
0x142: {  	v41 =	vld [tilespmem:$0x1FFD0];
	v33 =	vmul.f32 v5, v5;
	v0 =	vadd.f32 v29, v0;
	v1 =	vadd.f32 v31, v1  }
0x143: {  	v7 =	vsub.f32 v42, v36;
	v5 =	vmul.f32 v34, v34;
	v3 =	vadd.f32 v30, v4  }
0x144: {  	v35 =	vmul.f32 v47, v47;
	v0 =	vadd.f32 v32, v0;
	v1 =	vadd.f32 v33, v1  }
0x145: {  	v40 =	vmul.f32 v7, v7;
	v3 =	vadd.f32 v5, v3  }
0x146: {  	v46 =	vld [tilespmem:$0x1FFE0];
	v0 =	vadd.f32 v35, v0;
	v5 =	vmul.f32 v39, v39;
	v1 =	vadd.f32 v38, v1  }
0x147: {  	v42 =	vperm.xlane v3, v41  }
0x148: {  	v43 =	vmul.f32 v43, v43;
	v0 =	vadd.f32 v5, v0;
	v1 =	vadd.f32 v40, v1  }
0x149: {  	v3 =	vadd.f32 v3, v42  }
0x14a: {  	v50 =	vld [tilespmem:$0x1FFF0];
	v45 =	vperm.xlane v0, v41;
	v1 =	vadd.f32 v43, v1  }
0x14b: {  	v47 =	vperm.xlane v3, v46  }
0x14c: {  	v0 =	vadd.f32 v0, v45;
	v48 =	vperm.xlane v1, v41  }
0x14d: {  	v3 =	vadd.f32 v3, v47  }
0x14e: {  	v49 =	vperm.xlane v0, v46;
	v1 =	vadd.f32 v1, v48  }
0x14f: {  	v51 =	vperm.xlane v3, v50  }
0x150: {  	v2 =	vadd.f32 v2, v18;
	v0 =	vadd.f32 v0, v49;
	v52 =	vperm.xlane v1, v46  }
0x151: {  	v3 =	vadd.f32 v3, v51  }
0x152: {  	v53 =	vperm.xlane v2, v37;
	v54 =	vperm.xlane v0, v50;
	v1 =	vadd.f32 v1, v52  }
0x153: {  	v55 =	vperm.xlane v3, v37  }
0x154: {  	v2 =	vadd.f32 v2, v53;
	v0 =	vadd.f32 v0, v54;
	v56 =	vperm.xlane v1, v50  }
0x155: {  	v3 =	vadd.f32 v3, v55  }
0x156: {  	v2 =	vmul.f32 $-1.000000010e-01, v2;
	v57 =	vperm.xlane v0, v37;
	v1 =	vadd.f32 v1, v56  }
0x157: {  	v3 =	vmul.f32 $-1.000000010e-01, v3  }
0x158: {  	v2 =	vmul.f32 $1.442695020e+00, v2;
	v0 =	vadd.f32 v0, v57;
	v58 =	vperm.xlane v1, v37  }
0x159: {  	v3 =	vmul.f32 $1.442695020e+00, v3  }
0x15a: {  	(erf) = vpow2.f32 v2;
	v0 =	vmul.f32 $-1.000000010e-01, v0;
	v1 =	vadd.f32 v1, v58  }
0x15b: {  	(erf) = vpow2.f32 v3  }
0x15c: {  	v0 =	vmul.f32 $1.442695020e+00, v0;
	v1 =	vmul.f32 $-1.000000010e-01, v1;
	_ =	sdelay $0x1  }
0x15d: {  	(erf) = vpow2.f32 v0;
	v59 =	vmul.f32 $1.442695020e+00, v1;
	_ =	sdelay $0x1  }
0x15e: {  	(erf) = vpow2.f32 v59;
	_ =	sdelay $0x2  }
0x15f: {  	v60 =	vpop (erf)  }
0x160: {  	v0 =	vadd.f32 v60, v44  }
0x161: {  	v61 =	vpop (erf)  }
0x162: {  	v0 =	vadd.f32 v61, v0  }
0x163: {  	v62 =	vpop (erf)  }
0x164: {  	v0 =	vadd.f32 v62, v0  }
0x165: {  	v63 =	vpop (erf)  }
0x166: {  	s12 =	sadd.s32 $0x1, s12;
	v0 =	vadd.f32 v63, v0  }
0x167: {  	p0 =	sne.s32 s12, s6  }
.Ltmp1:
0x168: {  	[tilespmem:$0xA200] =	vst v0;
	(pc) =	sbr.rel @p0 .LBB2_1-.Ltmp1, $4  }
0x169: {  	[hbm4b:s5+s2] =	stream.linear.scatter [tilespmem:s10], [sflag:$0x3], $0x10, $0x38;
	[tilespmem:$0xA280] =	vst v63  }
0x16a: {  	_ =	swait.ge [sflag:s11], $0x10  }
0x16b: {  	[sflag:s11] =	ssyncset.done $0x0  }
0x16c: {  	[sflag:s11] =	ssyncadd.s32 $0xFFFFFFF0  }
0x16d: {  	_ =	sfence.sel $0x180000  }
0x16e: {  	[bflag:$0x0] =	sbarrier.arrive $0xFFFF  }
0x16f: {  	p0 =	sne.s32 s1, $0x0;
	_ =	strace $0x90000047  }
0x170: {  	s0 =	sadd.s32 @!p0 $0x100000, s3;
	[bflag:$0x2] =	sbarrier.arrive $0xFFFF  }
0x171: {  	[sflag:s0] =	ssyncadd.tile.s32 @!p0 $0x1;
	_ =	shalt  }
.Lfunc_end2:
_tile_overlayer_lowered:
.L_overlay_start_2:
0x172: {  	(tag) =	ssettag $0x2  }
0x173: {  	s0 =	rddreg [dreg:$0x0];
	s2 =	stileid.u32  }
0x174: {  	s1 =	rddreg [dreg:$0x1];
	p0 =	sne.s32 s2, $0x0  }
0x175: {  	s3 =	rddreg [dreg:$0x2];
	[bflag:$0x3] =	sbarrier.arrive $0xFFFF;
	s2 =	simm.s32 @!p0 $0x1C03  }
0x176: {  	[timem:s3], [sflag:s2] =	dma.local @!p0 [hbm:s0], s1  }
0x177: {  	s0 =	simm.s32 @!p0 $0x3  }
0x178: {  	_ =	swait.ge @!p0 [sflag:s0], s1  }
0x179: {  	s1 =	ssub.s32 @!p0 $0x0, s1;
	[sflag:s0] =	ssyncset.done @!p0 $0x0  }
0x17a: {  	[sflag:s0] =	ssyncadd.s32 @!p0 s1  }
0x17b: {  	[bflag:$0x3] =	sbarrier.arrive $0xFFFF  }
0x17c: {  	_ =	shalt  }

</sc_bundles>
